<compile_context>
chip_gen: v7x
topology: tpu7x:2x2x1
jax: 0.10.2.dev20260603
libtpu: 0.0.44.dev20260713+nightly
codegen_flags: <defaults>
</compile_context>

<pallas_src>
import functools

import jax
import jax.numpy as jnp
from jax import lax
from jax.experimental import pallas as pl
from jax.experimental.pallas import tpu as pltpu
from jax.experimental.pallas import tpu_sc as plsc

N_NODES = 100000
CUTOFF_SR = 10.0
CUTOFF_LR = 10.0
LR_CUTOFF2 = CUTOFF_LR * CUTOFF_LR
KEHALF = 0.5 * 0.5291772108 * 1.0

NC = 2
NS = 16
NW = NC * NS
LANES = 16
E_CHUNK = 2000
ACC = ((N_NODES + 16 * NS - 1) // (16 * NS)) * (16 * NS)
SLICE = ACC // NS


def _geometry_kernel(d_ref, g_ref):
    d = d_ref[...]
    d2 = d * d
    d2p1 = d2 + 1.0
    inv_d = jax.lax.rsqrt(d2)
    r = jax.lax.rsqrt(d2p1)
    x = d * (2.0 / CUTOFF_SR)
    x3 = x * x * x
    switch = jnp.where(x < 1.0,
                       1.0 - x3 * (10.0 + x * (6.0 * x - 15.0)), 0.0)
    e_ord = inv_d + d * (1.0 / LR_CUTOFF2) - 2.0 / CUTOFF_LR
    e_sh = r + (d2p1 * r) * (1.0 / LR_CUTOFF2) - 2.0 / CUTOFF_LR
    g = KEHALF * (e_ord + switch * (e_sh - e_ord))
    g_ref[...] = jnp.where(d <= CUTOFF_LR, g, 0.0)


def _scale_sum_kernel(p_ref, qa_ref, o_ref):
    o_ref[...] = (p_ref[0:1, :] + p_ref[1:2, :]) * qa_ref[...]


def _sc_body(g_hbm, qa_hbm, ii_hbm, ij_hbm, out_hbm,
             qa_v, g0, g1, g2, g3, ii0, ii1, ii2, ii3, ij0, ij1, ij2, ij3,
             sem_in0, sem_in1, sem_in2, sem_in3,
             sem_sc0, sem_sc1, sem_sc2, sem_sc3, acc_s):
    cid = lax.axis_index("c")
    sid = lax.axis_index("s")
    n_edges = g_hbm.shape[0]
    per_worker = n_edges // NW
    chunks = per_worker // E_CHUNK
    base = (cid * NS + sid) * per_worker
    sets = ((g0, ii0, ij0, sem_in0, sem_sc0),
            (g1, ii1, ij1, sem_in1, sem_sc1),
            (g2, ii2, ij2, sem_in2, sem_sc2),
            (g3, ii3, ij3, sem_in3, sem_sc3))

    qa_cp = pltpu.async_copy(qa_hbm, qa_v, sem_in3)

    def _zero(i, carry):
        g0[pl.ds(i * LANES, LANES)] = jnp.zeros((LANES,), jnp.float32)
        return carry
    lax.fori_loop(0, E_CHUNK // LANES, _zero, 0, unroll=8)
    done = 0
    while done < SLICE:
        n = min(E_CHUNK, SLICE - done)
        pltpu.sync_copy(g0.at[pl.ds(0, n)], acc_s.at[pl.ds(sid * SLICE + done, n)])
        done += n
    qa_cp.wait()
    plsc.subcore_barrier()

    def start_in(k, st):
        g_v, ii_v, ij_v, sem, _ = st
        off = base + k * E_CHUNK
        pltpu.async_copy(g_hbm.at[pl.ds(off, E_CHUNK)], g_v, sem)
        pltpu.async_copy(ii_hbm.at[pl.ds(off, E_CHUNK)], ii_v, sem)
        pltpu.async_copy(ij_hbm.at[pl.ds(off, E_CHUNK)], ij_v, sem)

    def wait_in(st):
        g_v, ii_v, ij_v, sem, _ = st
        pltpu.make_async_copy(g_hbm.at[pl.ds(0, E_CHUNK)], g_v, sem).wait()
        pltpu.make_async_copy(ii_hbm.at[pl.ds(0, E_CHUNK)], ii_v, sem).wait()
        pltpu.make_async_copy(ij_hbm.at[pl.ds(0, E_CHUNK)], ij_v, sem).wait()

    def compute(st):
        g_v, _, ij_v, _, _ = st

        def _vec(i, c):
            s = pl.ds(i * LANES, LANES)
            qj = plsc.load_gather(qa_v, [ij_v[s]])
            g_v[s] = qj * g_v[s]
            return c
        lax.fori_loop(0, E_CHUNK // LANES, _vec, 0, unroll=4)

    def start_sc(st):
        g_v, ii_v, _, _, sem = st
        pltpu.async_copy(g_v, acc_s.at[ii_v], sem, add=True)

    def wait_sc(st):
        g_v, ii_v, _, _, sem = st
        pltpu.make_async_copy(g_v, acc_s.at[ii_v], sem).wait()

    assert chunks % 4 == 0, chunks
    start_in(0, sets[0])
    start_in(1, sets[1])

    def _quad(t, carry):
        for x in range(4):
            st = sets[x]
            nx = sets[(x + 2) % 4]
            c = 4 * t + x
            wait_in(st)
            compute(st)
            start_sc(st)

            @pl.when(c >= 2)
            def _():
                wait_sc(nx)

            @pl.when(c + 2 < chunks)
            def _():
                start_in(c + 2, nx)
        return carry
    lax.fori_loop(0, chunks // 4, _quad, 0)
    wait_sc(sets[2])
    wait_sc(sets[3])

    plsc.subcore_barrier()
    done = 0
    while done < SLICE:
        n = min(E_CHUNK, SLICE - done)
        pltpu.sync_copy(acc_s.at[pl.ds(sid * SLICE + done, n)],
                        g0.at[pl.ds(0, n)])
        pltpu.sync_copy(g0.at[pl.ds(0, n)],
                        out_hbm.at[pl.ds(cid * ACC + sid * SLICE + done, n)])
        done += n


def kernel(Dij, Qa, idx_i, idx_j):
    n_e = Dij.shape[0]
    grain = NW * E_CHUNK
    L = ((n_e + grain - 1) // grain) * grain

    d_p = jnp.pad(Dij, (0, L - n_e), constant_values=CUTOFF_LR + 1.0)
    ii_p = jnp.pad(idx_i.astype(jnp.int32), (0, L - n_e))
    ij_p = jnp.pad(idx_j.astype(jnp.int32), (0, L - n_e))

    blk = next(b for b in (131072, 128000, 64000, 8000) if L % b == 0)
    g = pl.pallas_call(
        _geometry_kernel,
        grid=(L // blk,),
        in_specs=[pl.BlockSpec((blk,), lambda i: (i,))],
        out_specs=pl.BlockSpec((blk,), lambda i: (i,)),
        out_shape=jax.ShapeDtypeStruct((L,), jnp.float32),
    )(d_p)

    qa_p = jnp.pad(Qa, (0, ACC - Qa.shape[0]))

    sc = functools.partial(
        pl.kernel,
        out_type=jax.ShapeDtypeStruct((NC * ACC,), jnp.float32),
        mesh=plsc.VectorSubcoreMesh(core_axis_name="c", subcore_axis_name="s"),
        compiler_params=pltpu.CompilerParams(needs_layout_passes=False),
        scratch_types=(
            [pltpu.VMEM((ACC,), jnp.float32)]
            + [pltpu.VMEM((E_CHUNK,), jnp.float32)] * 4
            + [pltpu.VMEM((E_CHUNK,), jnp.int32)] * 8
            + [pltpu.SemaphoreType.DMA] * 8
            + [pltpu.VMEM_SHARED((ACC,), jnp.float32)]
        ),
    )(_sc_body)
    partials = sc(g, qa_p, ii_p, ij_p).reshape(NC, ACC)

    out = pl.pallas_call(
        _scale_sum_kernel,
        out_shape=jax.ShapeDtypeStruct((1, ACC), jnp.float32),
    )(partials, qa_p.reshape(1, ACC))
    return out[0, :Qa.shape[0]]

# --- scband reference (transcript-rebuilt; emitter-appended) ---
"""Pipeline reference for scband-electrostatic-energy-layer-74440373175030 (READ-ONLY COPY).

The authoritative reference and input builder live on the scoring server;
editing this copy changes nothing except your own understanding.
"""

import jax, jax.numpy as jnp
import numpy as np

N_NODES = 100000
N_EDGES = 6400000
CUTOFF_SR = 10.0
CUTOFF_LR = 10.0
LR_CUTOFF2 = CUTOFF_LR * CUTOFF_LR
KEHALF = 0.5 * 0.5291772108 * 1.0


def polynomial_cutoff(r, cutoff):
    # PhysNet-style smooth polynomial cutoff: phi(x) = 1 - 6x^5 + 15x^4 - 10x^3 for x<1 else 0
    x = r / cutoff
    x3 = x * x * x
    x4 = x3 * x
    x5 = x4 * x
    phi = 1.0 - 6.0 * x5 + 15.0 * x4 - 10.0 * x3
    return jnp.where(x < 1.0, phi, jnp.zeros_like(phi))


def setup_inputs(seed: int = 0) -> dict:
    key = jax.random.key(seed)
    k1, k2, k3, k4 = jax.random.split(key, 4)
    # pair distances strictly positive, in (0.1, 10.0]
    Dij = jax.random.uniform(k1, (N_EDGES,), dtype=jnp.float32) * 9.9 + 0.1
    Qa = jax.random.normal(k2, (N_NODES,), dtype=jnp.float32)
    idx_i = jnp.sort(jax.random.randint(k3, (N_EDGES,), 0, N_NODES, dtype=jnp.int64))
    idx_j = jax.random.randint(k4, (N_EDGES,), 0, N_NODES, dtype=jnp.int64)
    return {"Dij": Dij, "Qa": Qa, "idx_i": idx_i, "idx_j": idx_j}


def reference(Dij, Qa, idx_i, idx_j):
    Qi = jnp.take(Qa, idx_i, axis=0)
    Qj = jnp.take(Qa, idx_j, axis=0)
    Dij_shielded = jnp.sqrt(Dij * Dij + 1.0)
    switch = polynomial_cutoff(Dij, CUTOFF_SR / 2.0)
    cswitch = 1.0 - switch
    Eele_ordinary = 1.0 / Dij + Dij / LR_CUTOFF2 - 2.0 / CUTOFF_LR
    Eele_shielded = 1.0 / Dij_shielded + Dij_shielded / LR_CUTOFF2 - 2.0 / CUTOFF_LR
    Eele = KEHALF * Qi * Qj * (switch * Eele_shielded + cswitch * Eele_ordinary)
    Eele = jnp.where(Dij <= CUTOFF_LR, Eele, jnp.zeros_like(Eele))
    E_ele_a = jax.ops.segment_sum(Eele, idx_i, num_segments=N_NODES)
    return E_ele_a

if __name__ == "__main__":
    import jax
    _d = setup_inputs()
    print(jax.jit(kernel)(*tuple(_d.values())))

</pallas_src>

<mosaic_0001>
#map = affine_map<(d0, d1) -> (0)>
module attributes {stable_mosaic.version = 14 : i64} {
  func.func @_sc_body(%arg0: i32, %arg1: i32, %arg2: memref<6400000xf32, #tpu.memory_space<hbm>>, %arg3: memref<100096xf32, #tpu.memory_space<hbm>>, %arg4: memref<6400000xi32, #tpu.memory_space<hbm>>, %arg5: memref<6400000xi32, #tpu.memory_space<hbm>>, %arg6: memref<200192xf32, #tpu.memory_space<hbm>>, %arg7: memref<100096xf32, #tpu.memory_space<vmem>>, %arg8: memref<2000xf32, #tpu.memory_space<vmem>>, %arg9: memref<2000xf32, #tpu.memory_space<vmem>>, %arg10: memref<2000xf32, #tpu.memory_space<vmem>>, %arg11: memref<2000xf32, #tpu.memory_space<vmem>>, %arg12: memref<2000xi32, #tpu.memory_space<vmem>>, %arg13: memref<2000xi32, #tpu.memory_space<vmem>>, %arg14: memref<2000xi32, #tpu.memory_space<vmem>>, %arg15: memref<2000xi32, #tpu.memory_space<vmem>>, %arg16: memref<2000xi32, #tpu.memory_space<vmem>>, %arg17: memref<2000xi32, #tpu.memory_space<vmem>>, %arg18: memref<2000xi32, #tpu.memory_space<vmem>>, %arg19: memref<2000xi32, #tpu.memory_space<vmem>>, %arg20: memref<!tpu.dma_semaphore, #tpu.memory_space<semaphore_mem>>, %arg21: memref<!tpu.dma_semaphore, #tpu.memory_space<semaphore_mem>>, %arg22: memref<!tpu.dma_semaphore, #tpu.memory_space<semaphore_mem>>, %arg23: memref<!tpu.dma_semaphore, #tpu.memory_space<semaphore_mem>>, %arg24: memref<!tpu.dma_semaphore, #tpu.memory_space<semaphore_mem>>, %arg25: memref<!tpu.dma_semaphore, #tpu.memory_space<semaphore_mem>>, %arg26: memref<!tpu.dma_semaphore, #tpu.memory_space<semaphore_mem>>, %arg27: memref<!tpu.dma_semaphore, #tpu.memory_space<semaphore_mem>>, %arg28: memref<100096xf32, #tpu.memory_space<vmem_shared>>) attributes {dimension_semantics = [#tpu.dimension_semantics<core_parallel>, #tpu.dimension_semantics<subcore_parallel>], iteration_bounds = array<i64: 2, 16>, scalar_prefetch = 0 : i64, scratch_operands = 22 : i64, tpu.core_type = #tpu.core_type<sc_vector_subcore>, window_params = [{transform_indices = #map}, {transform_indices = #map}, {transform_indices = #map}, {transform_indices = #map}, {transform_indices = #map}]} {
    %mul3A = arith.constant 16 : i32
    %mul3A_0 = arith.muli %arg0, %mul3A : i32
    %add3A = arith.addi %mul3A_0, %arg1 : i32
    %mul3A_1 = arith.constant 200000 : i32
    %mul3A_2 = arith.muli %add3A, %mul3A_1 : i32
    tpu.enqueue_dma source(%arg3 : memref<100096xf32, #tpu.memory_space<hbm>>) target(%arg7 : memref<100096xf32, #tpu.memory_space<vmem>>) target_semaphore(%arg23 : memref<!tpu.dma_semaphore, #tpu.memory_space<semaphore_mem>>)
    %scan3A = arith.constant 0 : i32
    %scan3A_3 = arith.constant 0 : i32
    %scan3A_4 = arith.constant 120 : i32
    %scan3A_5 = arith.addi %scan3A_3, %scan3A_4 : i32
    %scan3A_6 = arith.constant 8 : i32
    scf.for %scan3A_131 = %scan3A_3 to %scan3A_5 step %scan3A_6  : i32 {
      %broadcast_in_dim3A_132 = arith.constant 0.000000e+00 : f32
      %broadcast_in_dim3A_133 = vector.broadcast %broadcast_in_dim3A_132 : f32 to vector<16xf32>
      %mul3A_134 = arith.constant 16 : i32
      %mul3A_135 = arith.muli %scan3A_131, %mul3A_134 : i32
      %swap3A_136 = arith.index_cast %mul3A_135 : i32 to index
      %swap3A_137 = tpu.vector_load %arg8[%swap3A_136] {strides = array<i32>} : memref<2000xf32, #tpu.memory_space<vmem>>, vector<16xf32>,
      tpu.vector_store %arg8[%swap3A_136], %broadcast_in_dim3A_133 {strides = array<i32>} : memref<2000xf32, #tpu.memory_space<vmem>>, vector<16xf32>,
      %scan3A_138 = arith.constant 1 : i32
      %scan3A_139 = arith.addi %scan3A_131, %scan3A_138 : i32
      %broadcast_in_dim3A_140 = arith.constant 0.000000e+00 : f32
      %broadcast_in_dim3A_141 = vector.broadcast %broadcast_in_dim3A_140 : f32 to vector<16xf32>
      %mul3A_142 = arith.constant 16 : i32
      %mul3A_143 = arith.muli %scan3A_139, %mul3A_142 : i32
      %swap3A_144 = arith.index_cast %mul3A_143 : i32 to index
      %swap3A_145 = tpu.vector_load %arg8[%swap3A_144] {strides = array<i32>} : memref<2000xf32, #tpu.memory_space<vmem>>, vector<16xf32>,
      tpu.vector_store %arg8[%swap3A_144], %broadcast_in_dim3A_141 {strides = array<i32>} : memref<2000xf32, #tpu.memory_space<vmem>>, vector<16xf32>,
      %scan3A_146 = arith.constant 2 : i32
      %scan3A_147 = arith.addi %scan3A_131, %scan3A_146 : i32
      %broadcast_in_dim3A_148 = arith.constant 0.000000e+00 : f32
      %broadcast_in_dim3A_149 = vector.broadcast %broadcast_in_dim3A_148 : f32 to vector<16xf32>
      %mul3A_150 = arith.constant 16 : i32
      %mul3A_151 = arith.muli %scan3A_147, %mul3A_150 : i32
      %swap3A_152 = arith.index_cast %mul3A_151 : i32 to index
      %swap3A_153 = tpu.vector_load %arg8[%swap3A_152] {strides = array<i32>} : memref<2000xf32, #tpu.memory_space<vmem>>, vector<16xf32>,
      tpu.vector_store %arg8[%swap3A_152], %broadcast_in_dim3A_149 {strides = array<i32>} : memref<2000xf32, #tpu.memory_space<vmem>>, vector<16xf32>,
      %scan3A_154 = arith.constant 3 : i32
      %scan3A_155 = arith.addi %scan3A_131, %scan3A_154 : i32
      %broadcast_in_dim3A_156 = arith.constant 0.000000e+00 : f32
      %broadcast_in_dim3A_157 = vector.broadcast %broadcast_in_dim3A_156 : f32 to vector<16xf32>
      %mul3A_158 = arith.constant 16 : i32
      %mul3A_159 = arith.muli %scan3A_155, %mul3A_158 : i32
      %swap3A_160 = arith.index_cast %mul3A_159 : i32 to index
      %swap3A_161 = tpu.vector_load %arg8[%swap3A_160] {strides = array<i32>} : memref<2000xf32, #tpu.memory_space<vmem>>, vector<16xf32>,
      tpu.vector_store %arg8[%swap3A_160], %broadcast_in_dim3A_157 {strides = array<i32>} : memref<2000xf32, #tpu.memory_space<vmem>>, vector<16xf32>,
      %scan3A_162 = arith.constant 4 : i32
      %scan3A_163 = arith.addi %scan3A_131, %scan3A_162 : i32
      %broadcast_in_dim3A_164 = arith.constant 0.000000e+00 : f32
      %broadcast_in_dim3A_165 = vector.broadcast %broadcast_in_dim3A_164 : f32 to vector<16xf32>
      %mul3A_166 = arith.constant 16 : i32
      %mul3A_167 = arith.muli %scan3A_163, %mul3A_166 : i32
      %swap3A_168 = arith.index_cast %mul3A_167 : i32 to index
      %swap3A_169 = tpu.vector_load %arg8[%swap3A_168] {strides = array<i32>} : memref<2000xf32, #tpu.memory_space<vmem>>, vector<16xf32>,
      tpu.vector_store %arg8[%swap3A_168], %broadcast_in_dim3A_165 {strides = array<i32>} : memref<2000xf32, #tpu.memory_space<vmem>>, vector<16xf32>,
      %scan3A_170 = arith.constant 5 : i32
      %scan3A_171 = arith.addi %scan3A_131, %scan3A_170 : i32
      %broadcast_in_dim3A_172 = arith.constant 0.000000e+00 : f32
      %broadcast_in_dim3A_173 = vector.broadcast %broadcast_in_dim3A_172 : f32 to vector<16xf32>
      %mul3A_174 = arith.constant 16 : i32
      %mul3A_175 = arith.muli %scan3A_171, %mul3A_174 : i32
      %swap3A_176 = arith.index_cast %mul3A_175 : i32 to index
      %swap3A_177 = tpu.vector_load %arg8[%swap3A_176] {strides = array<i32>} : memref<2000xf32, #tpu.memory_space<vmem>>, vector<16xf32>,
      tpu.vector_store %arg8[%swap3A_176], %broadcast_in_dim3A_173 {strides = array<i32>} : memref<2000xf32, #tpu.memory_space<vmem>>, vector<16xf32>,
      %scan3A_178 = arith.constant 6 : i32
      %scan3A_179 = arith.addi %scan3A_131, %scan3A_178 : i32
      %broadcast_in_dim3A_180 = arith.constant 0.000000e+00 : f32
      %broadcast_in_dim3A_181 = vector.broadcast %broadcast_in_dim3A_180 : f32 to vector<16xf32>
      %mul3A_182 = arith.constant 16 : i32
      %mul3A_183 = arith.muli %scan3A_179, %mul3A_182 : i32
      %swap3A_184 = arith.index_cast %mul3A_183 : i32 to index
      %swap3A_185 = tpu.vector_load %arg8[%swap3A_184] {strides = array<i32>} : memref<2000xf32, #tpu.memory_space<vmem>>, vector<16xf32>,
      tpu.vector_store %arg8[%swap3A_184], %broadcast_in_dim3A_181 {strides = array<i32>} : memref<2000xf32, #tpu.memory_space<vmem>>, vector<16xf32>,
      %scan3A_186 = arith.constant 7 : i32
      %scan3A_187 = arith.addi %scan3A_131, %scan3A_186 : i32
      %broadcast_in_dim3A_188 = arith.constant 0.000000e+00 : f32
      %broadcast_in_dim3A_189 = vector.broadcast %broadcast_in_dim3A_188 : f32 to vector<16xf32>
      %mul3A_190 = arith.constant 16 : i32
      %mul3A_191 = arith.muli %scan3A_187, %mul3A_190 : i32
      %swap3A_192 = arith.index_cast %mul3A_191 : i32 to index
      %swap3A_193 = tpu.vector_load %arg8[%swap3A_192] {strides = array<i32>} : memref<2000xf32, #tpu.memory_space<vmem>>, vector<16xf32>,
      tpu.vector_store %arg8[%swap3A_192], %broadcast_in_dim3A_189 {strides = array<i32>} : memref<2000xf32, #tpu.memory_space<vmem>>, vector<16xf32>,
    }
    %scan3A_7 = arith.constant 120 : i32
    %scan3A_8 = arith.addi %scan3A_3, %scan3A_7 : i32
    %broadcast_in_dim3A = arith.constant 0.000000e+00 : f32
    %broadcast_in_dim3A_9 = vector.broadcast %broadcast_in_dim3A : f32 to vector<16xf32>
    %mul3A_10 = arith.constant 16 : i32
    %mul3A_11 = arith.muli %scan3A_8, %mul3A_10 : i32
    %swap3A = arith.index_cast %mul3A_11 : i32 to index
    %swap3A_12 = tpu.vector_load %arg8[%swap3A] {strides = array<i32>} : memref<2000xf32, #tpu.memory_space<vmem>>, vector<16xf32>,
    tpu.vector_store %arg8[%swap3A], %broadcast_in_dim3A_9 {strides = array<i32>} : memref<2000xf32, #tpu.memory_space<vmem>>, vector<16xf32>,
    %scan3A_13 = arith.constant 121 : i32
    %scan3A_14 = arith.addi %scan3A_3, %scan3A_13 : i32
    %broadcast_in_dim3A_15 = arith.constant 0.000000e+00 : f32
    %broadcast_in_dim3A_16 = vector.broadcast %broadcast_in_dim3A_15 : f32 to vector<16xf32>
    %mul3A_17 = arith.constant 16 : i32
    %mul3A_18 = arith.muli %scan3A_14, %mul3A_17 : i32
    %swap3A_19 = arith.index_cast %mul3A_18 : i32 to index
    %swap3A_20 = tpu.vector_load %arg8[%swap3A_19] {strides = array<i32>} : memref<2000xf32, #tpu.memory_space<vmem>>, vector<16xf32>,
    tpu.vector_store %arg8[%swap3A_19], %broadcast_in_dim3A_16 {strides = array<i32>} : memref<2000xf32, #tpu.memory_space<vmem>>, vector<16xf32>,
    %scan3A_21 = arith.constant 122 : i32
    %scan3A_22 = arith.addi %scan3A_3, %scan3A_21 : i32
    %broadcast_in_dim3A_23 = arith.constant 0.000000e+00 : f32
    %broadcast_in_dim3A_24 = vector.broadcast %broadcast_in_dim3A_23 : f32 to vector<16xf32>
    %mul3A_25 = arith.constant 16 : i32
    %mul3A_26 = arith.muli %scan3A_22, %mul3A_25 : i32
    %swap3A_27 = arith.index_cast %mul3A_26 : i32 to index
    %swap3A_28 = tpu.vector_load %arg8[%swap3A_27] {strides = array<i32>} : memref<2000xf32, #tpu.memory_space<vmem>>, vector<16xf32>,
    tpu.vector_store %arg8[%swap3A_27], %broadcast_in_dim3A_24 {strides = array<i32>} : memref<2000xf32, #tpu.memory_space<vmem>>, vector<16xf32>,
    %scan3A_29 = arith.constant 123 : i32
    %scan3A_30 = arith.addi %scan3A_3, %scan3A_29 : i32
    %broadcast_in_dim3A_31 = arith.constant 0.000000e+00 : f32
    %broadcast_in_dim3A_32 = vector.broadcast %broadcast_in_dim3A_31 : f32 to vector<16xf32>
    %mul3A_33 = arith.constant 16 : i32
    %mul3A_34 = arith.muli %scan3A_30, %mul3A_33 : i32
    %swap3A_35 = arith.index_cast %mul3A_34 : i32 to index
    %swap3A_36 = tpu.vector_load %arg8[%swap3A_35] {strides = array<i32>} : memref<2000xf32, #tpu.memory_space<vmem>>, vector<16xf32>,
    tpu.vector_store %arg8[%swap3A_35], %broadcast_in_dim3A_32 {strides = array<i32>} : memref<2000xf32, #tpu.memory_space<vmem>>, vector<16xf32>,
    %scan3A_37 = arith.constant 124 : i32
    %scan3A_38 = arith.addi %scan3A_3, %scan3A_37 : i32
    %broadcast_in_dim3A_39 = arith.constant 0.000000e+00 : f32
    %broadcast_in_dim3A_40 = vector.broadcast %broadcast_in_dim3A_39 : f32 to vector<16xf32>
    %mul3A_41 = arith.constant 16 : i32
    %mul3A_42 = arith.muli %scan3A_38, %mul3A_41 : i32
    %swap3A_43 = arith.index_cast %mul3A_42 : i32 to index
    %swap3A_44 = tpu.vector_load %arg8[%swap3A_43] {strides = array<i32>} : memref<2000xf32, #tpu.memory_space<vmem>>, vector<16xf32>,
    tpu.vector_store %arg8[%swap3A_43], %broadcast_in_dim3A_40 {strides = array<i32>} : memref<2000xf32, #tpu.memory_space<vmem>>, vector<16xf32>,
    %scan3A_45 = arith.constant 125 : i32
    %mul3A_46 = arith.constant 6256 : i32
    %mul3A_47 = arith.muli %arg1, %mul3A_46 : i32
    %add3A_48 = arith.constant 0 : i32
    %add3A_49 = arith.addi %mul3A_47, %add3A_48 : i32
    "tpu.region"() ({
      %run_scoped3A = tpu.sem_alloc : memref<!tpu.dma_semaphore, #tpu.memory_space<semaphore_mem>>
      %dma_start3A_131 = arith.constant 0 : i32
      %dma_start3A_132 = tpu.memref_slice %arg8[%dma_start3A_131] : memref<2000xf32, #tpu.memory_space<vmem>> -> memref<2000xf32, #tpu.memory_space<vmem>>
      %dma_start3A_133 = tpu.memref_slice %arg28[%add3A_49] : memref<100096xf32, #tpu.memory_space<vmem_shared>> -> memref<2000xf32, #tpu.memory_space<vmem_shared>>
      %dma_start3A_134 = tpu.memref_slice %arg28[%add3A_49] : memref<100096xf32, #tpu.memory_space<vmem_shared>> -> memref<2000xf32, #tpu.memory_space<vmem_shared>>
      %dma_start3A_135 = arith.constant 0 : i32
      %dma_start3A_136 = tpu.memref_slice %arg8[%dma_start3A_135] : memref<2000xf32, #tpu.memory_space<vmem>> -> memref<2000xf32, #tpu.memory_space<vmem>>
      tpu.enqueue_dma source(%dma_start3A_136 : memref<2000xf32, #tpu.memory_space<vmem>>) target(%dma_start3A_134 : memref<2000xf32, #tpu.memory_space<vmem_shared>>) target_semaphore(%run_scoped3A : memref<!tpu.dma_semaphore, #tpu.memory_space<semaphore_mem>>)
      %dma_wait3A_137 = arith.constant 0 : i32
      %dma_wait3A_138 = tpu.memref_slice %arg8[%dma_wait3A_137] : memref<2000xf32, #tpu.memory_space<vmem>> -> memref<2000xf32, #tpu.memory_space<vmem>>
      %dma_wait3A_139 = tpu.memref_slice %arg28[%add3A_49] : memref<100096xf32, #tpu.memory_space<vmem_shared>> -> memref<2000xf32, #tpu.memory_space<vmem_shared>>
      %dma_wait3A_140 = tpu.memref_slice %arg28[%add3A_49] : memref<100096xf32, #tpu.memory_space<vmem_shared>> -> memref<2000xf32, #tpu.memory_space<vmem_shared>>
      %dma_wait3A_141 = arith.constant 0 : i32
      %dma_wait3A_142 = tpu.memref_slice %arg8[%dma_wait3A_141] : memref<2000xf32, #tpu.memory_space<vmem>> -> memref<2000xf32, #tpu.memory_space<vmem>>
      tpu.wait_dma2 semaphore(%run_scoped3A : memref<!tpu.dma_semaphore, #tpu.memory_space<semaphore_mem>>) src(%dma_wait3A_142 : memref<2000xf32, #tpu.memory_space<vmem>>) dst(%dma_wait3A_140 : memref<2000xf32, #tpu.memory_space<vmem_shared>>)
      tpu.yield
    }) : () -> ()
    %mul3A_50 = arith.constant 6256 : i32
    %mul3A_51 = arith.muli %arg1, %mul3A_50 : i32
    %add3A_52 = arith.constant 2000 : i32
    %add3A_53 = arith.addi %mul3A_51, %add3A_52 : i32
    "tpu.region"() ({
      %run_scoped3A = tpu.sem_alloc : memref<!tpu.dma_semaphore, #tpu.memory_space<semaphore_mem>>
      %dma_start3A_131 = arith.constant 0 : i32
      %dma_start3A_132 = tpu.memref_slice %arg8[%dma_start3A_131] : memref<2000xf32, #tpu.memory_space<vmem>> -> memref<2000xf32, #tpu.memory_space<vmem>>
      %dma_start3A_133 = tpu.memref_slice %arg28[%add3A_53] : memref<100096xf32, #tpu.memory_space<vmem_shared>> -> memref<2000xf32, #tpu.memory_space<vmem_shared>>
      %dma_start3A_134 = tpu.memref_slice %arg28[%add3A_53] : memref<100096xf32, #tpu.memory_space<vmem_shared>> -> memref<2000xf32, #tpu.memory_space<vmem_shared>>
      %dma_start3A_135 = arith.constant 0 : i32
      %dma_start3A_136 = tpu.memref_slice %arg8[%dma_start3A_135] : memref<2000xf32, #tpu.memory_space<vmem>> -> memref<2000xf32, #tpu.memory_space<vmem>>
      tpu.enqueue_dma source(%dma_start3A_136 : memref<2000xf32, #tpu.memory_space<vmem>>) target(%dma_start3A_134 : memref<2000xf32, #tpu.memory_space<vmem_shared>>) target_semaphore(%run_scoped3A : memref<!tpu.dma_semaphore, #tpu.memory_space<semaphore_mem>>)
      %dma_wait3A_137 = arith.constant 0 : i32
      %dma_wait3A_138 = tpu.memref_slice %arg8[%dma_wait3A_137] : memref<2000xf32, #tpu.memory_space<vmem>> -> memref<2000xf32, #tpu.memory_space<vmem>>
      %dma_wait3A_139 = tpu.memref_slice %arg28[%add3A_53] : memref<100096xf32, #tpu.memory_space<vmem_shared>> -> memref<2000xf32, #tpu.memory_space<vmem_shared>>
      %dma_wait3A_140 = tpu.memref_slice %arg28[%add3A_53] : memref<100096xf32, #tpu.memory_space<vmem_shared>> -> memref<2000xf32, #tpu.memory_space<vmem_shared>>
      %dma_wait3A_141 = arith.constant 0 : i32
      %dma_wait3A_142 = tpu.memref_slice %arg8[%dma_wait3A_141] : memref<2000xf32, #tpu.memory_space<vmem>> -> memref<2000xf32, #tpu.memory_space<vmem>>
      tpu.wait_dma2 semaphore(%run_scoped3A : memref<!tpu.dma_semaphore, #tpu.memory_space<semaphore_mem>>) src(%dma_wait3A_142 : memref<2000xf32, #tpu.memory_space<vmem>>) dst(%dma_wait3A_140 : memref<2000xf32, #tpu.memory_space<vmem_shared>>)
      tpu.yield
    }) : () -> ()
    %mul3A_54 = arith.constant 6256 : i32
    %mul3A_55 = arith.muli %arg1, %mul3A_54 : i32
    %add3A_56 = arith.constant 4000 : i32
    %add3A_57 = arith.addi %mul3A_55, %add3A_56 : i32
    "tpu.region"() ({
      %run_scoped3A = tpu.sem_alloc : memref<!tpu.dma_semaphore, #tpu.memory_space<semaphore_mem>>
      %dma_start3A_131 = arith.constant 0 : i32
      %dma_start3A_132 = tpu.memref_slice %arg8[%dma_start3A_131] : memref<2000xf32, #tpu.memory_space<vmem>> -> memref<2000xf32, #tpu.memory_space<vmem>>
      %dma_start3A_133 = tpu.memref_slice %arg28[%add3A_57] : memref<100096xf32, #tpu.memory_space<vmem_shared>> -> memref<2000xf32, #tpu.memory_space<vmem_shared>>
      %dma_start3A_134 = tpu.memref_slice %arg28[%add3A_57] : memref<100096xf32, #tpu.memory_space<vmem_shared>> -> memref<2000xf32, #tpu.memory_space<vmem_shared>>
      %dma_start3A_135 = arith.constant 0 : i32
      %dma_start3A_136 = tpu.memref_slice %arg8[%dma_start3A_135] : memref<2000xf32, #tpu.memory_space<vmem>> -> memref<2000xf32, #tpu.memory_space<vmem>>
      tpu.enqueue_dma source(%dma_start3A_136 : memref<2000xf32, #tpu.memory_space<vmem>>) target(%dma_start3A_134 : memref<2000xf32, #tpu.memory_space<vmem_shared>>) target_semaphore(%run_scoped3A : memref<!tpu.dma_semaphore, #tpu.memory_space<semaphore_mem>>)
      %dma_wait3A_137 = arith.constant 0 : i32
      %dma_wait3A_138 = tpu.memref_slice %arg8[%dma_wait3A_137] : memref<2000xf32, #tpu.memory_space<vmem>> -> memref<2000xf32, #tpu.memory_space<vmem>>
      %dma_wait3A_139 = tpu.memref_slice %arg28[%add3A_57] : memref<100096xf32, #tpu.memory_space<vmem_shared>> -> memref<2000xf32, #tpu.memory_space<vmem_shared>>
      %dma_wait3A_140 = tpu.memref_slice %arg28[%add3A_57] : memref<100096xf32, #tpu.memory_space<vmem_shared>> -> memref<2000xf32, #tpu.memory_space<vmem_shared>>
      %dma_wait3A_141 = arith.constant 0 : i32
      %dma_wait3A_142 = tpu.memref_slice %arg8[%dma_wait3A_141] : memref<2000xf32, #tpu.memory_space<vmem>> -> memref<2000xf32, #tpu.memory_space<vmem>>
      tpu.wait_dma2 semaphore(%run_scoped3A : memref<!tpu.dma_semaphore, #tpu.memory_space<semaphore_mem>>) src(%dma_wait3A_142 : memref<2000xf32, #tpu.memory_space<vmem>>) dst(%dma_wait3A_140 : memref<2000xf32, #tpu.memory_space<vmem_shared>>)
      tpu.yield
    }) : () -> ()
    %mul3A_58 = arith.constant 6256 : i32
    %mul3A_59 = arith.muli %arg1, %mul3A_58 : i32
    %add3A_60 = arith.constant 6000 : i32
    %add3A_61 = arith.addi %mul3A_59, %add3A_60 : i32
    "tpu.region"() ({
      %run_scoped3A = tpu.sem_alloc : memref<!tpu.dma_semaphore, #tpu.memory_space<semaphore_mem>>
      %dma_start3A_131 = arith.constant 0 : i32
      %dma_start3A_132 = tpu.memref_slice %arg8[%dma_start3A_131] : memref<2000xf32, #tpu.memory_space<vmem>> -> memref<256xf32, #tpu.memory_space<vmem>>
      %dma_start3A_133 = tpu.memref_slice %arg28[%add3A_61] : memref<100096xf32, #tpu.memory_space<vmem_shared>> -> memref<256xf32, #tpu.memory_space<vmem_shared>>
      %dma_start3A_134 = tpu.memref_slice %arg28[%add3A_61] : memref<100096xf32, #tpu.memory_space<vmem_shared>> -> memref<256xf32, #tpu.memory_space<vmem_shared>>
      %dma_start3A_135 = arith.constant 0 : i32
      %dma_start3A_136 = tpu.memref_slice %arg8[%dma_start3A_135] : memref<2000xf32, #tpu.memory_space<vmem>> -> memref<256xf32, #tpu.memory_space<vmem>>
      tpu.enqueue_dma source(%dma_start3A_136 : memref<256xf32, #tpu.memory_space<vmem>>) target(%dma_start3A_134 : memref<256xf32, #tpu.memory_space<vmem_shared>>) target_semaphore(%run_scoped3A : memref<!tpu.dma_semaphore, #tpu.memory_space<semaphore_mem>>)
      %dma_wait3A_137 = arith.constant 0 : i32
      %dma_wait3A_138 = tpu.memref_slice %arg8[%dma_wait3A_137] : memref<2000xf32, #tpu.memory_space<vmem>> -> memref<256xf32, #tpu.memory_space<vmem>>
      %dma_wait3A_139 = tpu.memref_slice %arg28[%add3A_61] : memref<100096xf32, #tpu.memory_space<vmem_shared>> -> memref<256xf32, #tpu.memory_space<vmem_shared>>
      %dma_wait3A_140 = tpu.memref_slice %arg28[%add3A_61] : memref<100096xf32, #tpu.memory_space<vmem_shared>> -> memref<256xf32, #tpu.memory_space<vmem_shared>>
      %dma_wait3A_141 = arith.constant 0 : i32
      %dma_wait3A_142 = tpu.memref_slice %arg8[%dma_wait3A_141] : memref<2000xf32, #tpu.memory_space<vmem>> -> memref<256xf32, #tpu.memory_space<vmem>>
      tpu.wait_dma2 semaphore(%run_scoped3A : memref<!tpu.dma_semaphore, #tpu.memory_space<semaphore_mem>>) src(%dma_wait3A_142 : memref<256xf32, #tpu.memory_space<vmem>>) dst(%dma_wait3A_140 : memref<256xf32, #tpu.memory_space<vmem_shared>>)
      tpu.yield
    }) : () -> ()
    tpu.wait_dma2 semaphore(%arg23 : memref<!tpu.dma_semaphore, #tpu.memory_space<semaphore_mem>>) src(%arg3 : memref<100096xf32, #tpu.memory_space<hbm>>) dst(%arg7 : memref<100096xf32, #tpu.memory_space<vmem>>)
    %barrier3A = arith.constant 0 : index
    tpu.barrier barrier_id(%barrier3A)
    %add3A_62 = arith.constant 0 : i32
    %add3A_63 = arith.addi %mul3A_2, %add3A_62 : i32
    %dma_start3A = tpu.memref_slice %arg2[%add3A_63] : memref<6400000xf32, #tpu.memory_space<hbm>> -> memref<2000xf32, #tpu.memory_space<hbm>>
    %dma_start3A_64 = tpu.memref_slice %arg2[%add3A_63] : memref<6400000xf32, #tpu.memory_space<hbm>> -> memref<2000xf32, #tpu.memory_space<hbm>>
    tpu.enqueue_dma source(%dma_start3A_64 : memref<2000xf32, #tpu.memory_space<hbm>>) target(%arg8 : memref<2000xf32, #tpu.memory_space<vmem>>) target_semaphore(%arg20 : memref<!tpu.dma_semaphore, #tpu.memory_space<semaphore_mem>>)
    %dma_start3A_65 = tpu.memref_slice %arg4[%add3A_63] : memref<6400000xi32, #tpu.memory_space<hbm>> -> memref<2000xi32, #tpu.memory_space<hbm>>
    %dma_start3A_66 = tpu.memref_slice %arg4[%add3A_63] : memref<6400000xi32, #tpu.memory_space<hbm>> -> memref<2000xi32, #tpu.memory_space<hbm>>
    tpu.enqueue_dma source(%dma_start3A_66 : memref<2000xi32, #tpu.memory_space<hbm>>) target(%arg12 : memref<2000xi32, #tpu.memory_space<vmem>>) target_semaphore(%arg20 : memref<!tpu.dma_semaphore, #tpu.memory_space<semaphore_mem>>)
    %dma_start3A_67 = tpu.memref_slice %arg5[%add3A_63] : memref<6400000xi32, #tpu.memory_space<hbm>> -> memref<2000xi32, #tpu.memory_space<hbm>>
    %dma_start3A_68 = tpu.memref_slice %arg5[%add3A_63] : memref<6400000xi32, #tpu.memory_space<hbm>> -> memref<2000xi32, #tpu.memory_space<hbm>>
    tpu.enqueue_dma source(%dma_start3A_68 : memref<2000xi32, #tpu.memory_space<hbm>>) target(%arg16 : memref<2000xi32, #tpu.memory_space<vmem>>) target_semaphore(%arg20 : memref<!tpu.dma_semaphore, #tpu.memory_space<semaphore_mem>>)
    %add3A_69 = arith.constant 2000 : i32
    %add3A_70 = arith.addi %mul3A_2, %add3A_69 : i32
    %dma_start3A_71 = tpu.memref_slice %arg2[%add3A_70] : memref<6400000xf32, #tpu.memory_space<hbm>> -> memref<2000xf32, #tpu.memory_space<hbm>>
    %dma_start3A_72 = tpu.memref_slice %arg2[%add3A_70] : memref<6400000xf32, #tpu.memory_space<hbm>> -> memref<2000xf32, #tpu.memory_space<hbm>>
    tpu.enqueue_dma source(%dma_start3A_72 : memref<2000xf32, #tpu.memory_space<hbm>>) target(%arg9 : memref<2000xf32, #tpu.memory_space<vmem>>) target_semaphore(%arg21 : memref<!tpu.dma_semaphore, #tpu.memory_space<semaphore_mem>>)
    %dma_start3A_73 = tpu.memref_slice %arg4[%add3A_70] : memref<6400000xi32, #tpu.memory_space<hbm>> -> memref<2000xi32, #tpu.memory_space<hbm>>
    %dma_start3A_74 = tpu.memref_slice %arg4[%add3A_70] : memref<6400000xi32, #tpu.memory_space<hbm>> -> memref<2000xi32, #tpu.memory_space<hbm>>
    tpu.enqueue_dma source(%dma_start3A_74 : memref<2000xi32, #tpu.memory_space<hbm>>) target(%arg13 : memref<2000xi32, #tpu.memory_space<vmem>>) target_semaphore(%arg21 : memref<!tpu.dma_semaphore, #tpu.memory_space<semaphore_mem>>)
    %dma_start3A_75 = tpu.memref_slice %arg5[%add3A_70] : memref<6400000xi32, #tpu.memory_space<hbm>> -> memref<2000xi32, #tpu.memory_space<hbm>>
    %dma_start3A_76 = tpu.memref_slice %arg5[%add3A_70] : memref<6400000xi32, #tpu.memory_space<hbm>> -> memref<2000xi32, #tpu.memory_space<hbm>>
    tpu.enqueue_dma source(%dma_start3A_76 : memref<2000xi32, #tpu.memory_space<hbm>>) target(%arg17 : memref<2000xi32, #tpu.memory_space<vmem>>) target_semaphore(%arg21 : memref<!tpu.dma_semaphore, #tpu.memory_space<semaphore_mem>>)
    %scan3A_77 = arith.constant 0 : i32
    %scan3A_78 = arith.constant 0 : i32
    %scan3A_79 = arith.constant 25 : i32
    %scan3A_80 = arith.addi %scan3A_78, %scan3A_79 : i32
    %scan3A_81 = arith.constant 1 : i32
    scf.for %scan3A_131 = %scan3A_78 to %scan3A_80 step %scan3A_81  : i32 {
      %mul3A_132 = arith.constant 4 : i32
      %mul3A_133 = arith.muli %mul3A_132, %scan3A_131 : i32
      %add3A_134 = arith.constant 0 : i32
      %add3A_135 = arith.addi %mul3A_133, %add3A_134 : i32
      %dma_wait3A_136 = arith.constant 0 : i32
      %dma_wait3A_137 = tpu.memref_slice %arg2[%dma_wait3A_136] : memref<6400000xf32, #tpu.memory_space<hbm>> -> memref<2000xf32, #tpu.memory_space<hbm>>
      %dma_wait3A_138 = arith.constant 0 : i32
      %dma_wait3A_139 = tpu.memref_slice %arg2[%dma_wait3A_138] : memref<6400000xf32, #tpu.memory_space<hbm>> -> memref<2000xf32, #tpu.memory_space<hbm>>
      tpu.wait_dma2 semaphore(%arg20 : memref<!tpu.dma_semaphore, #tpu.memory_space<semaphore_mem>>) src(%dma_wait3A_139 : memref<2000xf32, #tpu.memory_space<hbm>>) dst(%arg8 : memref<2000xf32, #tpu.memory_space<vmem>>)
      %dma_wait3A_140 = arith.constant 0 : i32
      %dma_wait3A_141 = tpu.memref_slice %arg4[%dma_wait3A_140] : memref<6400000xi32, #tpu.memory_space<hbm>> -> memref<2000xi32, #tpu.memory_space<hbm>>
      %dma_wait3A_142 = arith.constant 0 : i32
      %dma_wait3A_143 = tpu.memref_slice %arg4[%dma_wait3A_142] : memref<6400000xi32, #tpu.memory_space<hbm>> -> memref<2000xi32, #tpu.memory_space<hbm>>
      tpu.wait_dma2 semaphore(%arg20 : memref<!tpu.dma_semaphore, #tpu.memory_space<semaphore_mem>>) src(%dma_wait3A_143 : memref<2000xi32, #tpu.memory_space<hbm>>) dst(%arg12 : memref<2000xi32, #tpu.memory_space<vmem>>)
      %dma_wait3A_144 = arith.constant 0 : i32
      %dma_wait3A_145 = tpu.memref_slice %arg5[%dma_wait3A_144] : memref<6400000xi32, #tpu.memory_space<hbm>> -> memref<2000xi32, #tpu.memory_space<hbm>>
      %dma_wait3A_146 = arith.constant 0 : i32
      %dma_wait3A_147 = tpu.memref_slice %arg5[%dma_wait3A_146] : memref<6400000xi32, #tpu.memory_space<hbm>> -> memref<2000xi32, #tpu.memory_space<hbm>>
      tpu.wait_dma2 semaphore(%arg20 : memref<!tpu.dma_semaphore, #tpu.memory_space<semaphore_mem>>) src(%dma_wait3A_147 : memref<2000xi32, #tpu.memory_space<hbm>>) dst(%arg16 : memref<2000xi32, #tpu.memory_space<vmem>>)
      %scan3A_148 = arith.constant 0 : i32
      %scan3A_149 = arith.constant 0 : i32
      %scan3A_150 = arith.constant 124 : i32
      %scan3A_151 = arith.addi %scan3A_149, %scan3A_150 : i32
      %scan3A_152 = arith.constant 4 : i32
      scf.for %scan3A_318 = %scan3A_149 to %scan3A_151 step %scan3A_152  : i32 {
        %mul3A_319 = arith.constant 16 : i32
        %mul3A_320 = arith.muli %scan3A_318, %mul3A_319 : i32
        %get3A_321 = arith.index_cast %mul3A_320 : i32 to index
        %get3A_322 = tpu.vector_load %arg16[%get3A_321] {strides = array<i32>} : memref<2000xi32, #tpu.memory_space<vmem>>, vector<16xi32>,
        %gather3A_323 = tpu.vector_load_idx %arg7[%get3A_322] : memref<100096xf32, #tpu.memory_space<vmem>>[vector<16xi32>], vector<16xf32>,
        %get3A_324 = arith.index_cast %mul3A_320 : i32 to index
        %get3A_325 = tpu.vector_load %arg8[%get3A_324] {strides = array<i32>} : memref<2000xf32, #tpu.memory_space<vmem>>, vector<16xf32>,
        %mul3A_326 = arith.mulf %gather3A_323, %get3A_325 : vector<16xf32>
        %swap3A_327 = arith.index_cast %mul3A_320 : i32 to index
        %swap3A_328 = tpu.vector_load %arg8[%swap3A_327] {strides = array<i32>} : memref<2000xf32, #tpu.memory_space<vmem>>, vector<16xf32>,
        tpu.vector_store %arg8[%swap3A_327], %mul3A_326 {strides = array<i32>} : memref<2000xf32, #tpu.memory_space<vmem>>, vector<16xf32>,
        %scan3A_329 = arith.constant 1 : i32
        %scan3A_330 = arith.addi %scan3A_318, %scan3A_329 : i32
        %mul3A_331 = arith.constant 16 : i32
        %mul3A_332 = arith.muli %scan3A_330, %mul3A_331 : i32
        %get3A_333 = arith.index_cast %mul3A_332 : i32 to index
        %get3A_334 = tpu.vector_load %arg16[%get3A_333] {strides = array<i32>} : memref<2000xi32, #tpu.memory_space<vmem>>, vector<16xi32>,
        %gather3A_335 = tpu.vector_load_idx %arg7[%get3A_334] : memref<100096xf32, #tpu.memory_space<vmem>>[vector<16xi32>], vector<16xf32>,
        %get3A_336 = arith.index_cast %mul3A_332 : i32 to index
        %get3A_337 = tpu.vector_load %arg8[%get3A_336] {strides = array<i32>} : memref<2000xf32, #tpu.memory_space<vmem>>, vector<16xf32>,
        %mul3A_338 = arith.mulf %gather3A_335, %get3A_337 : vector<16xf32>
        %swap3A_339 = arith.index_cast %mul3A_332 : i32 to index
        %swap3A_340 = tpu.vector_load %arg8[%swap3A_339] {strides = array<i32>} : memref<2000xf32, #tpu.memory_space<vmem>>, vector<16xf32>,
        tpu.vector_store %arg8[%swap3A_339], %mul3A_338 {strides = array<i32>} : memref<2000xf32, #tpu.memory_space<vmem>>, vector<16xf32>,
        %scan3A_341 = arith.constant 2 : i32
        %scan3A_342 = arith.addi %scan3A_318, %scan3A_341 : i32
        %mul3A_343 = arith.constant 16 : i32
        %mul3A_344 = arith.muli %scan3A_342, %mul3A_343 : i32
        %get3A_345 = arith.index_cast %mul3A_344 : i32 to index
        %get3A_346 = tpu.vector_load %arg16[%get3A_345] {strides = array<i32>} : memref<2000xi32, #tpu.memory_space<vmem>>, vector<16xi32>,
        %gather3A_347 = tpu.vector_load_idx %arg7[%get3A_346] : memref<100096xf32, #tpu.memory_space<vmem>>[vector<16xi32>], vector<16xf32>,
        %get3A_348 = arith.index_cast %mul3A_344 : i32 to index
        %get3A_349 = tpu.vector_load %arg8[%get3A_348] {strides = array<i32>} : memref<2000xf32, #tpu.memory_space<vmem>>, vector<16xf32>,
        %mul3A_350 = arith.mulf %gather3A_347, %get3A_349 : vector<16xf32>
        %swap3A_351 = arith.index_cast %mul3A_344 : i32 to index
        %swap3A_352 = tpu.vector_load %arg8[%swap3A_351] {strides = array<i32>} : memref<2000xf32, #tpu.memory_space<vmem>>, vector<16xf32>,
        tpu.vector_store %arg8[%swap3A_351], %mul3A_350 {strides = array<i32>} : memref<2000xf32, #tpu.memory_space<vmem>>, vector<16xf32>,
        %scan3A_353 = arith.constant 3 : i32
        %scan3A_354 = arith.addi %scan3A_318, %scan3A_353 : i32
        %mul3A_355 = arith.constant 16 : i32
        %mul3A_356 = arith.muli %scan3A_354, %mul3A_355 : i32
        %get3A_357 = arith.index_cast %mul3A_356 : i32 to index
        %get3A_358 = tpu.vector_load %arg16[%get3A_357] {strides = array<i32>} : memref<2000xi32, #tpu.memory_space<vmem>>, vector<16xi32>,
        %gather3A_359 = tpu.vector_load_idx %arg7[%get3A_358] : memref<100096xf32, #tpu.memory_space<vmem>>[vector<16xi32>], vector<16xf32>,
        %get3A_360 = arith.index_cast %mul3A_356 : i32 to index
        %get3A_361 = tpu.vector_load %arg8[%get3A_360] {strides = array<i32>} : memref<2000xf32, #tpu.memory_space<vmem>>, vector<16xf32>,
        %mul3A_362 = arith.mulf %gather3A_359, %get3A_361 : vector<16xf32>
        %swap3A_363 = arith.index_cast %mul3A_356 : i32 to index
        %swap3A_364 = tpu.vector_load %arg8[%swap3A_363] {strides = array<i32>} : memref<2000xf32, #tpu.memory_space<vmem>>, vector<16xf32>,
        tpu.vector_store %arg8[%swap3A_363], %mul3A_362 {strides = array<i32>} : memref<2000xf32, #tpu.memory_space<vmem>>, vector<16xf32>,
      }
      %scan3A_153 = arith.constant 124 : i32
      %scan3A_154 = arith.addi %scan3A_149, %scan3A_153 : i32
      %mul3A_155 = arith.constant 16 : i32
      %mul3A_156 = arith.muli %scan3A_154, %mul3A_155 : i32
      %get3A = arith.index_cast %mul3A_156 : i32 to index
      %get3A_157 = tpu.vector_load %arg16[%get3A] {strides = array<i32>} : memref<2000xi32, #tpu.memory_space<vmem>>, vector<16xi32>,
      %gather3A = tpu.vector_load_idx %arg7[%get3A_157] : memref<100096xf32, #tpu.memory_space<vmem>>[vector<16xi32>], vector<16xf32>,
      %get3A_158 = arith.index_cast %mul3A_156 : i32 to index
      %get3A_159 = tpu.vector_load %arg8[%get3A_158] {strides = array<i32>} : memref<2000xf32, #tpu.memory_space<vmem>>, vector<16xf32>,
      %mul3A_160 = arith.mulf %gather3A, %get3A_159 : vector<16xf32>
      %swap3A_161 = arith.index_cast %mul3A_156 : i32 to index
      %swap3A_162 = tpu.vector_load %arg8[%swap3A_161] {strides = array<i32>} : memref<2000xf32, #tpu.memory_space<vmem>>, vector<16xf32>,
      tpu.vector_store %arg8[%swap3A_161], %mul3A_160 {strides = array<i32>} : memref<2000xf32, #tpu.memory_space<vmem>>, vector<16xf32>,
      %scan3A_163 = arith.constant 125 : i32
      %dma_start3A_164 = arith.constant 0 : i32
      %dma_start3A_165 = tpu.memref_slice %arg28[%dma_start3A_164] : memref<100096xf32, #tpu.memory_space<vmem_shared>> -> memref<100096xf32, #tpu.memory_space<vmem_shared>>
      tpu.enqueue_indirect_dma source(%arg8 : memref<2000xf32, #tpu.memory_space<vmem>>) target(%dma_start3A_165 : memref<100096xf32, #tpu.memory_space<vmem_shared>>) offsets(%arg12 : memref<2000xi32, #tpu.memory_space<vmem>>) semaphore(%arg24 : memref<!tpu.dma_semaphore, #tpu.memory_space<semaphore_mem>>) {add = true}
      %ge3A = arith.constant 2 : i32
      %ge3A_166 = arith.cmpi sge, %add3A_135, %ge3A : i32
      %convert_element_type3A = arith.extui %ge3A_166 : i1 to i32
      %cond3A = arith.constant 0 : i32
      %cond3A_167 = arith.cmpi ne, %convert_element_type3A, %cond3A : i32
      scf.if %cond3A_167 {
        %dma_wait3A_318 = arith.constant 0 : i32
        %dma_wait3A_319 = tpu.memref_slice %arg28[%dma_wait3A_318] : memref<100096xf32, #tpu.memory_space<vmem_shared>> -> memref<100096xf32, #tpu.memory_space<vmem_shared>>
        tpu.wait_indirect_dma semaphore(%arg26 : memref<!tpu.dma_semaphore, #tpu.memory_space<semaphore_mem>>) src(%arg10 : memref<2000xf32, #tpu.memory_space<vmem>>) dst(%dma_wait3A_319 : memref<100096xf32, #tpu.memory_space<vmem_shared>>)
      } else {
      }
      %add3A_168 = arith.constant 2 : i32
      %add3A_169 = arith.addi %add3A_135, %add3A_168 : i32
      %lt3A = arith.constant 100 : i32
      %lt3A_170 = arith.cmpi slt, %add3A_169, %lt3A : i32
      %convert_element_type3A_171 = arith.extui %lt3A_170 : i1 to i32
      %cond3A_172 = arith.constant 0 : i32
      %cond3A_173 = arith.cmpi ne, %convert_element_type3A_171, %cond3A_172 : i32
      scf.if %cond3A_173 {
        %add3A_318 = arith.constant 2 : i32
        %add3A_319 = arith.addi %add3A_135, %add3A_318 : i32
        %mul3A_320 = arith.constant 2000 : i32
        %mul3A_321 = arith.muli %add3A_319, %mul3A_320 : i32
        %add3A_322 = arith.addi %mul3A_2, %mul3A_321 : i32
        %dma_start3A_323 = tpu.memref_slice %arg2[%add3A_322] : memref<6400000xf32, #tpu.memory_space<hbm>> -> memref<2000xf32, #tpu.memory_space<hbm>>
        %dma_start3A_324 = tpu.memref_slice %arg2[%add3A_322] : memref<6400000xf32, #tpu.memory_space<hbm>> -> memref<2000xf32, #tpu.memory_space<hbm>>
        tpu.enqueue_dma source(%dma_start3A_324 : memref<2000xf32, #tpu.memory_space<hbm>>) target(%arg10 : memref<2000xf32, #tpu.memory_space<vmem>>) target_semaphore(%arg22 : memref<!tpu.dma_semaphore, #tpu.memory_space<semaphore_mem>>)
        %dma_start3A_325 = tpu.memref_slice %arg4[%add3A_322] : memref<6400000xi32, #tpu.memory_space<hbm>> -> memref<2000xi32, #tpu.memory_space<hbm>>
        %dma_start3A_326 = tpu.memref_slice %arg4[%add3A_322] : memref<6400000xi32, #tpu.memory_space<hbm>> -> memref<2000xi32, #tpu.memory_space<hbm>>
        tpu.enqueue_dma source(%dma_start3A_326 : memref<2000xi32, #tpu.memory_space<hbm>>) target(%arg14 : memref<2000xi32, #tpu.memory_space<vmem>>) target_semaphore(%arg22 : memref<!tpu.dma_semaphore, #tpu.memory_space<semaphore_mem>>)
        %dma_start3A_327 = tpu.memref_slice %arg5[%add3A_322] : memref<6400000xi32, #tpu.memory_space<hbm>> -> memref<2000xi32, #tpu.memory_space<hbm>>
        %dma_start3A_328 = tpu.memref_slice %arg5[%add3A_322] : memref<6400000xi32, #tpu.memory_space<hbm>> -> memref<2000xi32, #tpu.memory_space<hbm>>
        tpu.enqueue_dma source(%dma_start3A_328 : memref<2000xi32, #tpu.memory_space<hbm>>) target(%arg18 : memref<2000xi32, #tpu.memory_space<vmem>>) target_semaphore(%arg22 : memref<!tpu.dma_semaphore, #tpu.memory_space<semaphore_mem>>)
      } else {
      }
      %mul3A_174 = arith.constant 4 : i32
      %mul3A_175 = arith.muli %mul3A_174, %scan3A_131 : i32
      %add3A_176 = arith.constant 1 : i32
      %add3A_177 = arith.addi %mul3A_175, %add3A_176 : i32
      %dma_wait3A_178 = arith.constant 0 : i32
      %dma_wait3A_179 = tpu.memref_slice %arg2[%dma_wait3A_178] : memref<6400000xf32, #tpu.memory_space<hbm>> -> memref<2000xf32, #tpu.memory_space<hbm>>
      %dma_wait3A_180 = arith.constant 0 : i32
      %dma_wait3A_181 = tpu.memref_slice %arg2[%dma_wait3A_180] : memref<6400000xf32, #tpu.memory_space<hbm>> -> memref<2000xf32, #tpu.memory_space<hbm>>
      tpu.wait_dma2 semaphore(%arg21 : memref<!tpu.dma_semaphore, #tpu.memory_space<semaphore_mem>>) src(%dma_wait3A_181 : memref<2000xf32, #tpu.memory_space<hbm>>) dst(%arg9 : memref<2000xf32, #tpu.memory_space<vmem>>)
      %dma_wait3A_182 = arith.constant 0 : i32
      %dma_wait3A_183 = tpu.memref_slice %arg4[%dma_wait3A_182] : memref<6400000xi32, #tpu.memory_space<hbm>> -> memref<2000xi32, #tpu.memory_space<hbm>>
      %dma_wait3A_184 = arith.constant 0 : i32
      %dma_wait3A_185 = tpu.memref_slice %arg4[%dma_wait3A_184] : memref<6400000xi32, #tpu.memory_space<hbm>> -> memref<2000xi32, #tpu.memory_space<hbm>>
      tpu.wait_dma2 semaphore(%arg21 : memref<!tpu.dma_semaphore, #tpu.memory_space<semaphore_mem>>) src(%dma_wait3A_185 : memref<2000xi32, #tpu.memory_space<hbm>>) dst(%arg13 : memref<2000xi32, #tpu.memory_space<vmem>>)
      %dma_wait3A_186 = arith.constant 0 : i32
      %dma_wait3A_187 = tpu.memref_slice %arg5[%dma_wait3A_186] : memref<6400000xi32, #tpu.memory_space<hbm>> -> memref<2000xi32, #tpu.memory_space<hbm>>
      %dma_wait3A_188 = arith.constant 0 : i32
      %dma_wait3A_189 = tpu.memref_slice %arg5[%dma_wait3A_188] : memref<6400000xi32, #tpu.memory_space<hbm>> -> memref<2000xi32, #tpu.memory_space<hbm>>
      tpu.wait_dma2 semaphore(%arg21 : memref<!tpu.dma_semaphore, #tpu.memory_space<semaphore_mem>>) src(%dma_wait3A_189 : memref<2000xi32, #tpu.memory_space<hbm>>) dst(%arg17 : memref<2000xi32, #tpu.memory_space<vmem>>)
      %scan3A_190 = arith.constant 0 : i32
      %scan3A_191 = arith.constant 0 : i32
      %scan3A_192 = arith.constant 124 : i32
      %scan3A_193 = arith.addi %scan3A_191, %scan3A_192 : i32
      %scan3A_194 = arith.constant 4 : i32
      scf.for %scan3A_318 = %scan3A_191 to %scan3A_193 step %scan3A_194  : i32 {
        %mul3A_319 = arith.constant 16 : i32
        %mul3A_320 = arith.muli %scan3A_318, %mul3A_319 : i32
        %get3A_321 = arith.index_cast %mul3A_320 : i32 to index
        %get3A_322 = tpu.vector_load %arg17[%get3A_321] {strides = array<i32>} : memref<2000xi32, #tpu.memory_space<vmem>>, vector<16xi32>,
        %gather3A_323 = tpu.vector_load_idx %arg7[%get3A_322] : memref<100096xf32, #tpu.memory_space<vmem>>[vector<16xi32>], vector<16xf32>,
        %get3A_324 = arith.index_cast %mul3A_320 : i32 to index
        %get3A_325 = tpu.vector_load %arg9[%get3A_324] {strides = array<i32>} : memref<2000xf32, #tpu.memory_space<vmem>>, vector<16xf32>,
        %mul3A_326 = arith.mulf %gather3A_323, %get3A_325 : vector<16xf32>
        %swap3A_327 = arith.index_cast %mul3A_320 : i32 to index
        %swap3A_328 = tpu.vector_load %arg9[%swap3A_327] {strides = array<i32>} : memref<2000xf32, #tpu.memory_space<vmem>>, vector<16xf32>,
        tpu.vector_store %arg9[%swap3A_327], %mul3A_326 {strides = array<i32>} : memref<2000xf32, #tpu.memory_space<vmem>>, vector<16xf32>,
        %scan3A_329 = arith.constant 1 : i32
        %scan3A_330 = arith.addi %scan3A_318, %scan3A_329 : i32
        %mul3A_331 = arith.constant 16 : i32
        %mul3A_332 = arith.muli %scan3A_330, %mul3A_331 : i32
        %get3A_333 = arith.index_cast %mul3A_332 : i32 to index
        %get3A_334 = tpu.vector_load %arg17[%get3A_333] {strides = array<i32>} : memref<2000xi32, #tpu.memory_space<vmem>>, vector<16xi32>,
        %gather3A_335 = tpu.vector_load_idx %arg7[%get3A_334] : memref<100096xf32, #tpu.memory_space<vmem>>[vector<16xi32>], vector<16xf32>,
        %get3A_336 = arith.index_cast %mul3A_332 : i32 to index
        %get3A_337 = tpu.vector_load %arg9[%get3A_336] {strides = array<i32>} : memref<2000xf32, #tpu.memory_space<vmem>>, vector<16xf32>,
        %mul3A_338 = arith.mulf %gather3A_335, %get3A_337 : vector<16xf32>
        %swap3A_339 = arith.index_cast %mul3A_332 : i32 to index
        %swap3A_340 = tpu.vector_load %arg9[%swap3A_339] {strides = array<i32>} : memref<2000xf32, #tpu.memory_space<vmem>>, vector<16xf32>,
        tpu.vector_store %arg9[%swap3A_339], %mul3A_338 {strides = array<i32>} : memref<2000xf32, #tpu.memory_space<vmem>>, vector<16xf32>,
        %scan3A_341 = arith.constant 2 : i32
        %scan3A_342 = arith.addi %scan3A_318, %scan3A_341 : i32
        %mul3A_343 = arith.constant 16 : i32
        %mul3A_344 = arith.muli %scan3A_342, %mul3A_343 : i32
        %get3A_345 = arith.index_cast %mul3A_344 : i32 to index
        %get3A_346 = tpu.vector_load %arg17[%get3A_345] {strides = array<i32>} : memref<2000xi32, #tpu.memory_space<vmem>>, vector<16xi32>,
        %gather3A_347 = tpu.vector_load_idx %arg7[%get3A_346] : memref<100096xf32, #tpu.memory_space<vmem>>[vector<16xi32>], vector<16xf32>,
        %get3A_348 = arith.index_cast %mul3A_344 : i32 to index
        %get3A_349 = tpu.vector_load %arg9[%get3A_348] {strides = array<i32>} : memref<2000xf32, #tpu.memory_space<vmem>>, vector<16xf32>,
        %mul3A_350 = arith.mulf %gather3A_347, %get3A_349 : vector<16xf32>
        %swap3A_351 = arith.index_cast %mul3A_344 : i32 to index
        %swap3A_352 = tpu.vector_load %arg9[%swap3A_351] {strides = array<i32>} : memref<2000xf32, #tpu.memory_space<vmem>>, vector<16xf32>,
        tpu.vector_store %arg9[%swap3A_351], %mul3A_350 {strides = array<i32>} : memref<2000xf32, #tpu.memory_space<vmem>>, vector<16xf32>,
        %scan3A_353 = arith.constant 3 : i32
        %scan3A_354 = arith.addi %scan3A_318, %scan3A_353 : i32
        %mul3A_355 = arith.constant 16 : i32
        %mul3A_356 = arith.muli %scan3A_354, %mul3A_355 : i32
        %get3A_357 = arith.index_cast %mul3A_356 : i32 to index
        %get3A_358 = tpu.vector_load %arg17[%get3A_357] {strides = array<i32>} : memref<2000xi32, #tpu.memory_space<vmem>>, vector<16xi32>,
        %gather3A_359 = tpu.vector_load_idx %arg7[%get3A_358] : memref<100096xf32, #tpu.memory_space<vmem>>[vector<16xi32>], vector<16xf32>,
        %get3A_360 = arith.index_cast %mul3A_356 : i32 to index
        %get3A_361 = tpu.vector_load %arg9[%get3A_360] {strides = array<i32>} : memref<2000xf32, #tpu.memory_space<vmem>>, vector<16xf32>,
        %mul3A_362 = arith.mulf %gather3A_359, %get3A_361 : vector<16xf32>
        %swap3A_363 = arith.index_cast %mul3A_356 : i32 to index
        %swap3A_364 = tpu.vector_load %arg9[%swap3A_363] {strides = array<i32>} : memref<2000xf32, #tpu.memory_space<vmem>>, vector<16xf32>,
        tpu.vector_store %arg9[%swap3A_363], %mul3A_362 {strides = array<i32>} : memref<2000xf32, #tpu.memory_space<vmem>>, vector<16xf32>,
      }
      %scan3A_195 = arith.constant 124 : i32
      %scan3A_196 = arith.addi %scan3A_191, %scan3A_195 : i32
      %mul3A_197 = arith.constant 16 : i32
      %mul3A_198 = arith.muli %scan3A_196, %mul3A_197 : i32
      %get3A_199 = arith.index_cast %mul3A_198 : i32 to index
      %get3A_200 = tpu.vector_load %arg17[%get3A_199] {strides = array<i32>} : memref<2000xi32, #tpu.memory_space<vmem>>, vector<16xi32>,
      %gather3A_201 = tpu.vector_load_idx %arg7[%get3A_200] : memref<100096xf32, #tpu.memory_space<vmem>>[vector<16xi32>], vector<16xf32>,
      %get3A_202 = arith.index_cast %mul3A_198 : i32 to index
      %get3A_203 = tpu.vector_load %arg9[%get3A_202] {strides = array<i32>} : memref<2000xf32, #tpu.memory_space<vmem>>, vector<16xf32>,
      %mul3A_204 = arith.mulf %gather3A_201, %get3A_203 : vector<16xf32>
      %swap3A_205 = arith.index_cast %mul3A_198 : i32 to index
      %swap3A_206 = tpu.vector_load %arg9[%swap3A_205] {strides = array<i32>} : memref<2000xf32, #tpu.memory_space<vmem>>, vector<16xf32>,
      tpu.vector_store %arg9[%swap3A_205], %mul3A_204 {strides = array<i32>} : memref<2000xf32, #tpu.memory_space<vmem>>, vector<16xf32>,
      %scan3A_207 = arith.constant 125 : i32
      %dma_start3A_208 = arith.constant 0 : i32
      %dma_start3A_209 = tpu.memref_slice %arg28[%dma_start3A_208] : memref<100096xf32, #tpu.memory_space<vmem_shared>> -> memref<100096xf32, #tpu.memory_space<vmem_shared>>
      tpu.enqueue_indirect_dma source(%arg9 : memref<2000xf32, #tpu.memory_space<vmem>>) target(%dma_start3A_209 : memref<100096xf32, #tpu.memory_space<vmem_shared>>) offsets(%arg13 : memref<2000xi32, #tpu.memory_space<vmem>>) semaphore(%arg25 : memref<!tpu.dma_semaphore, #tpu.memory_space<semaphore_mem>>) {add = true}
      %ge3A_210 = arith.constant 2 : i32
      %ge3A_211 = arith.cmpi sge, %add3A_177, %ge3A_210 : i32
      %convert_element_type3A_212 = arith.extui %ge3A_211 : i1 to i32
      %cond3A_213 = arith.constant 0 : i32
      %cond3A_214 = arith.cmpi ne, %convert_element_type3A_212, %cond3A_213 : i32
      scf.if %cond3A_214 {
        %dma_wait3A_318 = arith.constant 0 : i32
        %dma_wait3A_319 = tpu.memref_slice %arg28[%dma_wait3A_318] : memref<100096xf32, #tpu.memory_space<vmem_shared>> -> memref<100096xf32, #tpu.memory_space<vmem_shared>>
        tpu.wait_indirect_dma semaphore(%arg27 : memref<!tpu.dma_semaphore, #tpu.memory_space<semaphore_mem>>) src(%arg11 : memref<2000xf32, #tpu.memory_space<vmem>>) dst(%dma_wait3A_319 : memref<100096xf32, #tpu.memory_space<vmem_shared>>)
      } else {
      }
      %add3A_215 = arith.constant 2 : i32
      %add3A_216 = arith.addi %add3A_177, %add3A_215 : i32
      %lt3A_217 = arith.constant 100 : i32
      %lt3A_218 = arith.cmpi slt, %add3A_216, %lt3A_217 : i32
      %convert_element_type3A_219 = arith.extui %lt3A_218 : i1 to i32
      %cond3A_220 = arith.constant 0 : i32
      %cond3A_221 = arith.cmpi ne, %convert_element_type3A_219, %cond3A_220 : i32
      scf.if %cond3A_221 {
        %add3A_318 = arith.constant 2 : i32
        %add3A_319 = arith.addi %add3A_177, %add3A_318 : i32
        %mul3A_320 = arith.constant 2000 : i32
        %mul3A_321 = arith.muli %add3A_319, %mul3A_320 : i32
        %add3A_322 = arith.addi %mul3A_2, %mul3A_321 : i32
        %dma_start3A_323 = tpu.memref_slice %arg2[%add3A_322] : memref<6400000xf32, #tpu.memory_space<hbm>> -> memref<2000xf32, #tpu.memory_space<hbm>>
        %dma_start3A_324 = tpu.memref_slice %arg2[%add3A_322] : memref<6400000xf32, #tpu.memory_space<hbm>> -> memref<2000xf32, #tpu.memory_space<hbm>>
        tpu.enqueue_dma source(%dma_start3A_324 : memref<2000xf32, #tpu.memory_space<hbm>>) target(%arg11 : memref<2000xf32, #tpu.memory_space<vmem>>) target_semaphore(%arg23 : memref<!tpu.dma_semaphore, #tpu.memory_space<semaphore_mem>>)
        %dma_start3A_325 = tpu.memref_slice %arg4[%add3A_322] : memref<6400000xi32, #tpu.memory_space<hbm>> -> memref<2000xi32, #tpu.memory_space<hbm>>
        %dma_start3A_326 = tpu.memref_slice %arg4[%add3A_322] : memref<6400000xi32, #tpu.memory_space<hbm>> -> memref<2000xi32, #tpu.memory_space<hbm>>
        tpu.enqueue_dma source(%dma_start3A_326 : memref<2000xi32, #tpu.memory_space<hbm>>) target(%arg15 : memref<2000xi32, #tpu.memory_space<vmem>>) target_semaphore(%arg23 : memref<!tpu.dma_semaphore, #tpu.memory_space<semaphore_mem>>)
        %dma_start3A_327 = tpu.memref_slice %arg5[%add3A_322] : memref<6400000xi32, #tpu.memory_space<hbm>> -> memref<2000xi32, #tpu.memory_space<hbm>>
        %dma_start3A_328 = tpu.memref_slice %arg5[%add3A_322] : memref<6400000xi32, #tpu.memory_space<hbm>> -> memref<2000xi32, #tpu.memory_space<hbm>>
        tpu.enqueue_dma source(%dma_start3A_328 : memref<2000xi32, #tpu.memory_space<hbm>>) target(%arg19 : memref<2000xi32, #tpu.memory_space<vmem>>) target_semaphore(%arg23 : memref<!tpu.dma_semaphore, #tpu.memory_space<semaphore_mem>>)
      } else {
      }
      %mul3A_222 = arith.constant 4 : i32
      %mul3A_223 = arith.muli %mul3A_222, %scan3A_131 : i32
      %add3A_224 = arith.constant 2 : i32
      %add3A_225 = arith.addi %mul3A_223, %add3A_224 : i32
      %dma_wait3A_226 = arith.constant 0 : i32
      %dma_wait3A_227 = tpu.memref_slice %arg2[%dma_wait3A_226] : memref<6400000xf32, #tpu.memory_space<hbm>> -> memref<2000xf32, #tpu.memory_space<hbm>>
      %dma_wait3A_228 = arith.constant 0 : i32
      %dma_wait3A_229 = tpu.memref_slice %arg2[%dma_wait3A_228] : memref<6400000xf32, #tpu.memory_space<hbm>> -> memref<2000xf32, #tpu.memory_space<hbm>>
      tpu.wait_dma2 semaphore(%arg22 : memref<!tpu.dma_semaphore, #tpu.memory_space<semaphore_mem>>) src(%dma_wait3A_229 : memref<2000xf32, #tpu.memory_space<hbm>>) dst(%arg10 : memref<2000xf32, #tpu.memory_space<vmem>>)
      %dma_wait3A_230 = arith.constant 0 : i32
      %dma_wait3A_231 = tpu.memref_slice %arg4[%dma_wait3A_230] : memref<6400000xi32, #tpu.memory_space<hbm>> -> memref<2000xi32, #tpu.memory_space<hbm>>
      %dma_wait3A_232 = arith.constant 0 : i32
      %dma_wait3A_233 = tpu.memref_slice %arg4[%dma_wait3A_232] : memref<6400000xi32, #tpu.memory_space<hbm>> -> memref<2000xi32, #tpu.memory_space<hbm>>
      tpu.wait_dma2 semaphore(%arg22 : memref<!tpu.dma_semaphore, #tpu.memory_space<semaphore_mem>>) src(%dma_wait3A_233 : memref<2000xi32, #tpu.memory_space<hbm>>) dst(%arg14 : memref<2000xi32, #tpu.memory_space<vmem>>)
      %dma_wait3A_234 = arith.constant 0 : i32
      %dma_wait3A_235 = tpu.memref_slice %arg5[%dma_wait3A_234] : memref<6400000xi32, #tpu.memory_space<hbm>> -> memref<2000xi32, #tpu.memory_space<hbm>>
      %dma_wait3A_236 = arith.constant 0 : i32
      %dma_wait3A_237 = tpu.memref_slice %arg5[%dma_wait3A_236] : memref<6400000xi32, #tpu.memory_space<hbm>> -> memref<2000xi32, #tpu.memory_space<hbm>>
      tpu.wait_dma2 semaphore(%arg22 : memref<!tpu.dma_semaphore, #tpu.memory_space<semaphore_mem>>) src(%dma_wait3A_237 : memref<2000xi32, #tpu.memory_space<hbm>>) dst(%arg18 : memref<2000xi32, #tpu.memory_space<vmem>>)
      %scan3A_238 = arith.constant 0 : i32
      %scan3A_239 = arith.constant 0 : i32
      %scan3A_240 = arith.constant 124 : i32
      %scan3A_241 = arith.addi %scan3A_239, %scan3A_240 : i32
      %scan3A_242 = arith.constant 4 : i32
      scf.for %scan3A_318 = %scan3A_239 to %scan3A_241 step %scan3A_242  : i32 {
        %mul3A_319 = arith.constant 16 : i32
        %mul3A_320 = arith.muli %scan3A_318, %mul3A_319 : i32
        %get3A_321 = arith.index_cast %mul3A_320 : i32 to index
        %get3A_322 = tpu.vector_load %arg18[%get3A_321] {strides = array<i32>} : memref<2000xi32, #tpu.memory_space<vmem>>, vector<16xi32>,
        %gather3A_323 = tpu.vector_load_idx %arg7[%get3A_322] : memref<100096xf32, #tpu.memory_space<vmem>>[vector<16xi32>], vector<16xf32>,
        %get3A_324 = arith.index_cast %mul3A_320 : i32 to index
        %get3A_325 = tpu.vector_load %arg10[%get3A_324] {strides = array<i32>} : memref<2000xf32, #tpu.memory_space<vmem>>, vector<16xf32>,
        %mul3A_326 = arith.mulf %gather3A_323, %get3A_325 : vector<16xf32>
        %swap3A_327 = arith.index_cast %mul3A_320 : i32 to index
        %swap3A_328 = tpu.vector_load %arg10[%swap3A_327] {strides = array<i32>} : memref<2000xf32, #tpu.memory_space<vmem>>, vector<16xf32>,
        tpu.vector_store %arg10[%swap3A_327], %mul3A_326 {strides = array<i32>} : memref<2000xf32, #tpu.memory_space<vmem>>, vector<16xf32>,
        %scan3A_329 = arith.constant 1 : i32
        %scan3A_330 = arith.addi %scan3A_318, %scan3A_329 : i32
        %mul3A_331 = arith.constant 16 : i32
        %mul3A_332 = arith.muli %scan3A_330, %mul3A_331 : i32
        %get3A_333 = arith.index_cast %mul3A_332 : i32 to index
        %get3A_334 = tpu.vector_load %arg18[%get3A_333] {strides = array<i32>} : memref<2000xi32, #tpu.memory_space<vmem>>, vector<16xi32>,
        %gather3A_335 = tpu.vector_load_idx %arg7[%get3A_334] : memref<100096xf32, #tpu.memory_space<vmem>>[vector<16xi32>], vector<16xf32>,
        %get3A_336 = arith.index_cast %mul3A_332 : i32 to index
        %get3A_337 = tpu.vector_load %arg10[%get3A_336] {strides = array<i32>} : memref<2000xf32, #tpu.memory_space<vmem>>, vector<16xf32>,
        %mul3A_338 = arith.mulf %gather3A_335, %get3A_337 : vector<16xf32>
        %swap3A_339 = arith.index_cast %mul3A_332 : i32 to index
        %swap3A_340 = tpu.vector_load %arg10[%swap3A_339] {strides = array<i32>} : memref<2000xf32, #tpu.memory_space<vmem>>, vector<16xf32>,
        tpu.vector_store %arg10[%swap3A_339], %mul3A_338 {strides = array<i32>} : memref<2000xf32, #tpu.memory_space<vmem>>, vector<16xf32>,
        %scan3A_341 = arith.constant 2 : i32
        %scan3A_342 = arith.addi %scan3A_318, %scan3A_341 : i32
        %mul3A_343 = arith.constant 16 : i32
        %mul3A_344 = arith.muli %scan3A_342, %mul3A_343 : i32
        %get3A_345 = arith.index_cast %mul3A_344 : i32 to index
        %get3A_346 = tpu.vector_load %arg18[%get3A_345] {strides = array<i32>} : memref<2000xi32, #tpu.memory_space<vmem>>, vector<16xi32>,
        %gather3A_347 = tpu.vector_load_idx %arg7[%get3A_346] : memref<100096xf32, #tpu.memory_space<vmem>>[vector<16xi32>], vector<16xf32>,
        %get3A_348 = arith.index_cast %mul3A_344 : i32 to index
        %get3A_349 = tpu.vector_load %arg10[%get3A_348] {strides = array<i32>} : memref<2000xf32, #tpu.memory_space<vmem>>, vector<16xf32>,
        %mul3A_350 = arith.mulf %gather3A_347, %get3A_349 : vector<16xf32>
        %swap3A_351 = arith.index_cast %mul3A_344 : i32 to index
        %swap3A_352 = tpu.vector_load %arg10[%swap3A_351] {strides = array<i32>} : memref<2000xf32, #tpu.memory_space<vmem>>, vector<16xf32>,
        tpu.vector_store %arg10[%swap3A_351], %mul3A_350 {strides = array<i32>} : memref<2000xf32, #tpu.memory_space<vmem>>, vector<16xf32>,
        %scan3A_353 = arith.constant 3 : i32
        %scan3A_354 = arith.addi %scan3A_318, %scan3A_353 : i32
        %mul3A_355 = arith.constant 16 : i32
        %mul3A_356 = arith.muli %scan3A_354, %mul3A_355 : i32
        %get3A_357 = arith.index_cast %mul3A_356 : i32 to index
        %get3A_358 = tpu.vector_load %arg18[%get3A_357] {strides = array<i32>} : memref<2000xi32, #tpu.memory_space<vmem>>, vector<16xi32>,
        %gather3A_359 = tpu.vector_load_idx %arg7[%get3A_358] : memref<100096xf32, #tpu.memory_space<vmem>>[vector<16xi32>], vector<16xf32>,
        %get3A_360 = arith.index_cast %mul3A_356 : i32 to index
        %get3A_361 = tpu.vector_load %arg10[%get3A_360] {strides = array<i32>} : memref<2000xf32, #tpu.memory_space<vmem>>, vector<16xf32>,
        %mul3A_362 = arith.mulf %gather3A_359, %get3A_361 : vector<16xf32>
        %swap3A_363 = arith.index_cast %mul3A_356 : i32 to index
        %swap3A_364 = tpu.vector_load %arg10[%swap3A_363] {strides = array<i32>} : memref<2000xf32, #tpu.memory_space<vmem>>, vector<16xf32>,
        tpu.vector_store %arg10[%swap3A_363], %mul3A_362 {strides = array<i32>} : memref<2000xf32, #tpu.memory_space<vmem>>, vector<16xf32>,
      }
      %scan3A_243 = arith.constant 124 : i32
      %scan3A_244 = arith.addi %scan3A_239, %scan3A_243 : i32
      %mul3A_245 = arith.constant 16 : i32
      %mul3A_246 = arith.muli %scan3A_244, %mul3A_245 : i32
      %get3A_247 = arith.index_cast %mul3A_246 : i32 to index
      %get3A_248 = tpu.vector_load %arg18[%get3A_247] {strides = array<i32>} : memref<2000xi32, #tpu.memory_space<vmem>>, vector<16xi32>,
      %gather3A_249 = tpu.vector_load_idx %arg7[%get3A_248] : memref<100096xf32, #tpu.memory_space<vmem>>[vector<16xi32>], vector<16xf32>,
      %get3A_250 = arith.index_cast %mul3A_246 : i32 to index
      %get3A_251 = tpu.vector_load %arg10[%get3A_250] {strides = array<i32>} : memref<2000xf32, #tpu.memory_space<vmem>>, vector<16xf32>,
      %mul3A_252 = arith.mulf %gather3A_249, %get3A_251 : vector<16xf32>
      %swap3A_253 = arith.index_cast %mul3A_246 : i32 to index
      %swap3A_254 = tpu.vector_load %arg10[%swap3A_253] {strides = array<i32>} : memref<2000xf32, #tpu.memory_space<vmem>>, vector<16xf32>,
      tpu.vector_store %arg10[%swap3A_253], %mul3A_252 {strides = array<i32>} : memref<2000xf32, #tpu.memory_space<vmem>>, vector<16xf32>,
      %scan3A_255 = arith.constant 125 : i32
      %dma_start3A_256 = arith.constant 0 : i32
      %dma_start3A_257 = tpu.memref_slice %arg28[%dma_start3A_256] : memref<100096xf32, #tpu.memory_space<vmem_shared>> -> memref<100096xf32, #tpu.memory_space<vmem_shared>>
      tpu.enqueue_indirect_dma source(%arg10 : memref<2000xf32, #tpu.memory_space<vmem>>) target(%dma_start3A_257 : memref<100096xf32, #tpu.memory_space<vmem_shared>>) offsets(%arg14 : memref<2000xi32, #tpu.memory_space<vmem>>) semaphore(%arg26 : memref<!tpu.dma_semaphore, #tpu.memory_space<semaphore_mem>>) {add = true}
      %ge3A_258 = arith.constant 2 : i32
      %ge3A_259 = arith.cmpi sge, %add3A_225, %ge3A_258 : i32
      %convert_element_type3A_260 = arith.extui %ge3A_259 : i1 to i32
      %cond3A_261 = arith.constant 0 : i32
      %cond3A_262 = arith.cmpi ne, %convert_element_type3A_260, %cond3A_261 : i32
      scf.if %cond3A_262 {
        %dma_wait3A_318 = arith.constant 0 : i32
        %dma_wait3A_319 = tpu.memref_slice %arg28[%dma_wait3A_318] : memref<100096xf32, #tpu.memory_space<vmem_shared>> -> memref<100096xf32, #tpu.memory_space<vmem_shared>>
        tpu.wait_indirect_dma semaphore(%arg24 : memref<!tpu.dma_semaphore, #tpu.memory_space<semaphore_mem>>) src(%arg8 : memref<2000xf32, #tpu.memory_space<vmem>>) dst(%dma_wait3A_319 : memref<100096xf32, #tpu.memory_space<vmem_shared>>)
      } else {
      }
      %add3A_263 = arith.constant 2 : i32
      %add3A_264 = arith.addi %add3A_225, %add3A_263 : i32
      %lt3A_265 = arith.constant 100 : i32
      %lt3A_266 = arith.cmpi slt, %add3A_264, %lt3A_265 : i32
      %convert_element_type3A_267 = arith.extui %lt3A_266 : i1 to i32
      %cond3A_268 = arith.constant 0 : i32
      %cond3A_269 = arith.cmpi ne, %convert_element_type3A_267, %cond3A_268 : i32
      scf.if %cond3A_269 {
        %add3A_318 = arith.constant 2 : i32
        %add3A_319 = arith.addi %add3A_225, %add3A_318 : i32
        %mul3A_320 = arith.constant 2000 : i32
        %mul3A_321 = arith.muli %add3A_319, %mul3A_320 : i32
        %add3A_322 = arith.addi %mul3A_2, %mul3A_321 : i32
        %dma_start3A_323 = tpu.memref_slice %arg2[%add3A_322] : memref<6400000xf32, #tpu.memory_space<hbm>> -> memref<2000xf32, #tpu.memory_space<hbm>>
        %dma_start3A_324 = tpu.memref_slice %arg2[%add3A_322] : memref<6400000xf32, #tpu.memory_space<hbm>> -> memref<2000xf32, #tpu.memory_space<hbm>>
        tpu.enqueue_dma source(%dma_start3A_324 : memref<2000xf32, #tpu.memory_space<hbm>>) target(%arg8 : memref<2000xf32, #tpu.memory_space<vmem>>) target_semaphore(%arg20 : memref<!tpu.dma_semaphore, #tpu.memory_space<semaphore_mem>>)
        %dma_start3A_325 = tpu.memref_slice %arg4[%add3A_322] : memref<6400000xi32, #tpu.memory_space<hbm>> -> memref<2000xi32, #tpu.memory_space<hbm>>
        %dma_start3A_326 = tpu.memref_slice %arg4[%add3A_322] : memref<6400000xi32, #tpu.memory_space<hbm>> -> memref<2000xi32, #tpu.memory_space<hbm>>
        tpu.enqueue_dma source(%dma_start3A_326 : memref<2000xi32, #tpu.memory_space<hbm>>) target(%arg12 : memref<2000xi32, #tpu.memory_space<vmem>>) target_semaphore(%arg20 : memref<!tpu.dma_semaphore, #tpu.memory_space<semaphore_mem>>)
        %dma_start3A_327 = tpu.memref_slice %arg5[%add3A_322] : memref<6400000xi32, #tpu.memory_space<hbm>> -> memref<2000xi32, #tpu.memory_space<hbm>>
        %dma_start3A_328 = tpu.memref_slice %arg5[%add3A_322] : memref<6400000xi32, #tpu.memory_space<hbm>> -> memref<2000xi32, #tpu.memory_space<hbm>>
        tpu.enqueue_dma source(%dma_start3A_328 : memref<2000xi32, #tpu.memory_space<hbm>>) target(%arg16 : memref<2000xi32, #tpu.memory_space<vmem>>) target_semaphore(%arg20 : memref<!tpu.dma_semaphore, #tpu.memory_space<semaphore_mem>>)
      } else {
      }
      %mul3A_270 = arith.constant 4 : i32
      %mul3A_271 = arith.muli %mul3A_270, %scan3A_131 : i32
      %add3A_272 = arith.constant 3 : i32
      %add3A_273 = arith.addi %mul3A_271, %add3A_272 : i32
      %dma_wait3A_274 = arith.constant 0 : i32
      %dma_wait3A_275 = tpu.memref_slice %arg2[%dma_wait3A_274] : memref<6400000xf32, #tpu.memory_space<hbm>> -> memref<2000xf32, #tpu.memory_space<hbm>>
      %dma_wait3A_276 = arith.constant 0 : i32
      %dma_wait3A_277 = tpu.memref_slice %arg2[%dma_wait3A_276] : memref<6400000xf32, #tpu.memory_space<hbm>> -> memref<2000xf32, #tpu.memory_space<hbm>>
      tpu.wait_dma2 semaphore(%arg23 : memref<!tpu.dma_semaphore, #tpu.memory_space<semaphore_mem>>) src(%dma_wait3A_277 : memref<2000xf32, #tpu.memory_space<hbm>>) dst(%arg11 : memref<2000xf32, #tpu.memory_space<vmem>>)
      %dma_wait3A_278 = arith.constant 0 : i32
      %dma_wait3A_279 = tpu.memref_slice %arg4[%dma_wait3A_278] : memref<6400000xi32, #tpu.memory_space<hbm>> -> memref<2000xi32, #tpu.memory_space<hbm>>
      %dma_wait3A_280 = arith.constant 0 : i32
      %dma_wait3A_281 = tpu.memref_slice %arg4[%dma_wait3A_280] : memref<6400000xi32, #tpu.memory_space<hbm>> -> memref<2000xi32, #tpu.memory_space<hbm>>
      tpu.wait_dma2 semaphore(%arg23 : memref<!tpu.dma_semaphore, #tpu.memory_space<semaphore_mem>>) src(%dma_wait3A_281 : memref<2000xi32, #tpu.memory_space<hbm>>) dst(%arg15 : memref<2000xi32, #tpu.memory_space<vmem>>)
      %dma_wait3A_282 = arith.constant 0 : i32
      %dma_wait3A_283 = tpu.memref_slice %arg5[%dma_wait3A_282] : memref<6400000xi32, #tpu.memory_space<hbm>> -> memref<2000xi32, #tpu.memory_space<hbm>>
      %dma_wait3A_284 = arith.constant 0 : i32
      %dma_wait3A_285 = tpu.memref_slice %arg5[%dma_wait3A_284] : memref<6400000xi32, #tpu.memory_space<hbm>> -> memref<2000xi32, #tpu.memory_space<hbm>>
      tpu.wait_dma2 semaphore(%arg23 : memref<!tpu.dma_semaphore, #tpu.memory_space<semaphore_mem>>) src(%dma_wait3A_285 : memref<2000xi32, #tpu.memory_space<hbm>>) dst(%arg19 : memref<2000xi32, #tpu.memory_space<vmem>>)
      %scan3A_286 = arith.constant 0 : i32
      %scan3A_287 = arith.constant 0 : i32
      %scan3A_288 = arith.constant 124 : i32
      %scan3A_289 = arith.addi %scan3A_287, %scan3A_288 : i32
      %scan3A_290 = arith.constant 4 : i32
      scf.for %scan3A_318 = %scan3A_287 to %scan3A_289 step %scan3A_290  : i32 {
        %mul3A_319 = arith.constant 16 : i32
        %mul3A_320 = arith.muli %scan3A_318, %mul3A_319 : i32
        %get3A_321 = arith.index_cast %mul3A_320 : i32 to index
        %get3A_322 = tpu.vector_load %arg19[%get3A_321] {strides = array<i32>} : memref<2000xi32, #tpu.memory_space<vmem>>, vector<16xi32>,
        %gather3A_323 = tpu.vector_load_idx %arg7[%get3A_322] : memref<100096xf32, #tpu.memory_space<vmem>>[vector<16xi32>], vector<16xf32>,
        %get3A_324 = arith.index_cast %mul3A_320 : i32 to index
        %get3A_325 = tpu.vector_load %arg11[%get3A_324] {strides = array<i32>} : memref<2000xf32, #tpu.memory_space<vmem>>, vector<16xf32>,
        %mul3A_326 = arith.mulf %gather3A_323, %get3A_325 : vector<16xf32>
        %swap3A_327 = arith.index_cast %mul3A_320 : i32 to index
        %swap3A_328 = tpu.vector_load %arg11[%swap3A_327] {strides = array<i32>} : memref<2000xf32, #tpu.memory_space<vmem>>, vector<16xf32>,
        tpu.vector_store %arg11[%swap3A_327], %mul3A_326 {strides = array<i32>} : memref<2000xf32, #tpu.memory_space<vmem>>, vector<16xf32>,
        %scan3A_329 = arith.constant 1 : i32
        %scan3A_330 = arith.addi %scan3A_318, %scan3A_329 : i32
        %mul3A_331 = arith.constant 16 : i32
        %mul3A_332 = arith.muli %scan3A_330, %mul3A_331 : i32
        %get3A_333 = arith.index_cast %mul3A_332 : i32 to index
        %get3A_334 = tpu.vector_load %arg19[%get3A_333] {strides = array<i32>} : memref<2000xi32, #tpu.memory_space<vmem>>, vector<16xi32>,
        %gather3A_335 = tpu.vector_load_idx %arg7[%get3A_334] : memref<100096xf32, #tpu.memory_space<vmem>>[vector<16xi32>], vector<16xf32>,
        %get3A_336 = arith.index_cast %mul3A_332 : i32 to index
        %get3A_337 = tpu.vector_load %arg11[%get3A_336] {strides = array<i32>} : memref<2000xf32, #tpu.memory_space<vmem>>, vector<16xf32>,
        %mul3A_338 = arith.mulf %gather3A_335, %get3A_337 : vector<16xf32>
        %swap3A_339 = arith.index_cast %mul3A_332 : i32 to index
        %swap3A_340 = tpu.vector_load %arg11[%swap3A_339] {strides = array<i32>} : memref<2000xf32, #tpu.memory_space<vmem>>, vector<16xf32>,
        tpu.vector_store %arg11[%swap3A_339], %mul3A_338 {strides = array<i32>} : memref<2000xf32, #tpu.memory_space<vmem>>, vector<16xf32>,
        %scan3A_341 = arith.constant 2 : i32
        %scan3A_342 = arith.addi %scan3A_318, %scan3A_341 : i32
        %mul3A_343 = arith.constant 16 : i32
        %mul3A_344 = arith.muli %scan3A_342, %mul3A_343 : i32
        %get3A_345 = arith.index_cast %mul3A_344 : i32 to index
        %get3A_346 = tpu.vector_load %arg19[%get3A_345] {strides = array<i32>} : memref<2000xi32, #tpu.memory_space<vmem>>, vector<16xi32>,
        %gather3A_347 = tpu.vector_load_idx %arg7[%get3A_346] : memref<100096xf32, #tpu.memory_space<vmem>>[vector<16xi32>], vector<16xf32>,
        %get3A_348 = arith.index_cast %mul3A_344 : i32 to index
        %get3A_349 = tpu.vector_load %arg11[%get3A_348] {strides = array<i32>} : memref<2000xf32, #tpu.memory_space<vmem>>, vector<16xf32>,
        %mul3A_350 = arith.mulf %gather3A_347, %get3A_349 : vector<16xf32>
        %swap3A_351 = arith.index_cast %mul3A_344 : i32 to index
        %swap3A_352 = tpu.vector_load %arg11[%swap3A_351] {strides = array<i32>} : memref<2000xf32, #tpu.memory_space<vmem>>, vector<16xf32>,
        tpu.vector_store %arg11[%swap3A_351], %mul3A_350 {strides = array<i32>} : memref<2000xf32, #tpu.memory_space<vmem>>, vector<16xf32>,
        %scan3A_353 = arith.constant 3 : i32
        %scan3A_354 = arith.addi %scan3A_318, %scan3A_353 : i32
        %mul3A_355 = arith.constant 16 : i32
        %mul3A_356 = arith.muli %scan3A_354, %mul3A_355 : i32
        %get3A_357 = arith.index_cast %mul3A_356 : i32 to index
        %get3A_358 = tpu.vector_load %arg19[%get3A_357] {strides = array<i32>} : memref<2000xi32, #tpu.memory_space<vmem>>, vector<16xi32>,
        %gather3A_359 = tpu.vector_load_idx %arg7[%get3A_358] : memref<100096xf32, #tpu.memory_space<vmem>>[vector<16xi32>], vector<16xf32>,
        %get3A_360 = arith.index_cast %mul3A_356 : i32 to index
        %get3A_361 = tpu.vector_load %arg11[%get3A_360] {strides = array<i32>} : memref<2000xf32, #tpu.memory_space<vmem>>, vector<16xf32>,
        %mul3A_362 = arith.mulf %gather3A_359, %get3A_361 : vector<16xf32>
        %swap3A_363 = arith.index_cast %mul3A_356 : i32 to index
        %swap3A_364 = tpu.vector_load %arg11[%swap3A_363] {strides = array<i32>} : memref<2000xf32, #tpu.memory_space<vmem>>, vector<16xf32>,
        tpu.vector_store %arg11[%swap3A_363], %mul3A_362 {strides = array<i32>} : memref<2000xf32, #tpu.memory_space<vmem>>, vector<16xf32>,
      }
      %scan3A_291 = arith.constant 124 : i32
      %scan3A_292 = arith.addi %scan3A_287, %scan3A_291 : i32
      %mul3A_293 = arith.constant 16 : i32
      %mul3A_294 = arith.muli %scan3A_292, %mul3A_293 : i32
      %get3A_295 = arith.index_cast %mul3A_294 : i32 to index
      %get3A_296 = tpu.vector_load %arg19[%get3A_295] {strides = array<i32>} : memref<2000xi32, #tpu.memory_space<vmem>>, vector<16xi32>,
      %gather3A_297 = tpu.vector_load_idx %arg7[%get3A_296] : memref<100096xf32, #tpu.memory_space<vmem>>[vector<16xi32>], vector<16xf32>,
      %get3A_298 = arith.index_cast %mul3A_294 : i32 to index
      %get3A_299 = tpu.vector_load %arg11[%get3A_298] {strides = array<i32>} : memref<2000xf32, #tpu.memory_space<vmem>>, vector<16xf32>,
      %mul3A_300 = arith.mulf %gather3A_297, %get3A_299 : vector<16xf32>
      %swap3A_301 = arith.index_cast %mul3A_294 : i32 to index
      %swap3A_302 = tpu.vector_load %arg11[%swap3A_301] {strides = array<i32>} : memref<2000xf32, #tpu.memory_space<vmem>>, vector<16xf32>,
      tpu.vector_store %arg11[%swap3A_301], %mul3A_300 {strides = array<i32>} : memref<2000xf32, #tpu.memory_space<vmem>>, vector<16xf32>,
      %scan3A_303 = arith.constant 125 : i32
      %dma_start3A_304 = arith.constant 0 : i32
      %dma_start3A_305 = tpu.memref_slice %arg28[%dma_start3A_304] : memref<100096xf32, #tpu.memory_space<vmem_shared>> -> memref<100096xf32, #tpu.memory_space<vmem_shared>>
      tpu.enqueue_indirect_dma source(%arg11 : memref<2000xf32, #tpu.memory_space<vmem>>) target(%dma_start3A_305 : memref<100096xf32, #tpu.memory_space<vmem_shared>>) offsets(%arg15 : memref<2000xi32, #tpu.memory_space<vmem>>) semaphore(%arg27 : memref<!tpu.dma_semaphore, #tpu.memory_space<semaphore_mem>>) {add = true}
      %ge3A_306 = arith.constant 2 : i32
      %ge3A_307 = arith.cmpi sge, %add3A_273, %ge3A_306 : i32
      %convert_element_type3A_308 = arith.extui %ge3A_307 : i1 to i32
      %cond3A_309 = arith.constant 0 : i32
      %cond3A_310 = arith.cmpi ne, %convert_element_type3A_308, %cond3A_309 : i32
      scf.if %cond3A_310 {
        %dma_wait3A_318 = arith.constant 0 : i32
        %dma_wait3A_319 = tpu.memref_slice %arg28[%dma_wait3A_318] : memref<100096xf32, #tpu.memory_space<vmem_shared>> -> memref<100096xf32, #tpu.memory_space<vmem_shared>>
        tpu.wait_indirect_dma semaphore(%arg25 : memref<!tpu.dma_semaphore, #tpu.memory_space<semaphore_mem>>) src(%arg9 : memref<2000xf32, #tpu.memory_space<vmem>>) dst(%dma_wait3A_319 : memref<100096xf32, #tpu.memory_space<vmem_shared>>)
      } else {
      }
      %add3A_311 = arith.constant 2 : i32
      %add3A_312 = arith.addi %add3A_273, %add3A_311 : i32
      %lt3A_313 = arith.constant 100 : i32
      %lt3A_314 = arith.cmpi slt, %add3A_312, %lt3A_313 : i32
      %convert_element_type3A_315 = arith.extui %lt3A_314 : i1 to i32
      %cond3A_316 = arith.constant 0 : i32
      %cond3A_317 = arith.cmpi ne, %convert_element_type3A_315, %cond3A_316 : i32
      scf.if %cond3A_317 {
        %add3A_318 = arith.constant 2 : i32
        %add3A_319 = arith.addi %add3A_273, %add3A_318 : i32
        %mul3A_320 = arith.constant 2000 : i32
        %mul3A_321 = arith.muli %add3A_319, %mul3A_320 : i32
        %add3A_322 = arith.addi %mul3A_2, %mul3A_321 : i32
        %dma_start3A_323 = tpu.memref_slice %arg2[%add3A_322] : memref<6400000xf32, #tpu.memory_space<hbm>> -> memref<2000xf32, #tpu.memory_space<hbm>>
        %dma_start3A_324 = tpu.memref_slice %arg2[%add3A_322] : memref<6400000xf32, #tpu.memory_space<hbm>> -> memref<2000xf32, #tpu.memory_space<hbm>>
        tpu.enqueue_dma source(%dma_start3A_324 : memref<2000xf32, #tpu.memory_space<hbm>>) target(%arg9 : memref<2000xf32, #tpu.memory_space<vmem>>) target_semaphore(%arg21 : memref<!tpu.dma_semaphore, #tpu.memory_space<semaphore_mem>>)
        %dma_start3A_325 = tpu.memref_slice %arg4[%add3A_322] : memref<6400000xi32, #tpu.memory_space<hbm>> -> memref<2000xi32, #tpu.memory_space<hbm>>
        %dma_start3A_326 = tpu.memref_slice %arg4[%add3A_322] : memref<6400000xi32, #tpu.memory_space<hbm>> -> memref<2000xi32, #tpu.memory_space<hbm>>
        tpu.enqueue_dma source(%dma_start3A_326 : memref<2000xi32, #tpu.memory_space<hbm>>) target(%arg13 : memref<2000xi32, #tpu.memory_space<vmem>>) target_semaphore(%arg21 : memref<!tpu.dma_semaphore, #tpu.memory_space<semaphore_mem>>)
        %dma_start3A_327 = tpu.memref_slice %arg5[%add3A_322] : memref<6400000xi32, #tpu.memory_space<hbm>> -> memref<2000xi32, #tpu.memory_space<hbm>>
        %dma_start3A_328 = tpu.memref_slice %arg5[%add3A_322] : memref<6400000xi32, #tpu.memory_space<hbm>> -> memref<2000xi32, #tpu.memory_space<hbm>>
        tpu.enqueue_dma source(%dma_start3A_328 : memref<2000xi32, #tpu.memory_space<hbm>>) target(%arg17 : memref<2000xi32, #tpu.memory_space<vmem>>) target_semaphore(%arg21 : memref<!tpu.dma_semaphore, #tpu.memory_space<semaphore_mem>>)
      } else {
      }
    }
    %scan3A_82 = arith.constant 25 : i32
    %dma_wait3A = arith.constant 0 : i32
    %dma_wait3A_83 = tpu.memref_slice %arg28[%dma_wait3A] : memref<100096xf32, #tpu.memory_space<vmem_shared>> -> memref<100096xf32, #tpu.memory_space<vmem_shared>>
    tpu.wait_indirect_dma semaphore(%arg26 : memref<!tpu.dma_semaphore, #tpu.memory_space<semaphore_mem>>) src(%arg10 : memref<2000xf32, #tpu.memory_space<vmem>>) dst(%dma_wait3A_83 : memref<100096xf32, #tpu.memory_space<vmem_shared>>)
    %dma_wait3A_84 = arith.constant 0 : i32
    %dma_wait3A_85 = tpu.memref_slice %arg28[%dma_wait3A_84] : memref<100096xf32, #tpu.memory_space<vmem_shared>> -> memref<100096xf32, #tpu.memory_space<vmem_shared>>
    tpu.wait_indirect_dma semaphore(%arg27 : memref<!tpu.dma_semaphore, #tpu.memory_space<semaphore_mem>>) src(%arg11 : memref<2000xf32, #tpu.memory_space<vmem>>) dst(%dma_wait3A_85 : memref<100096xf32, #tpu.memory_space<vmem_shared>>)
    %barrier3A_86 = arith.constant 0 : index
    tpu.barrier barrier_id(%barrier3A_86)
    %mul3A_87 = arith.constant 6256 : i32
    %mul3A_88 = arith.muli %arg1, %mul3A_87 : i32
    %add3A_89 = arith.constant 0 : i32
    %add3A_90 = arith.addi %mul3A_88, %add3A_89 : i32
    "tpu.region"() ({
      %run_scoped3A = tpu.sem_alloc : memref<!tpu.dma_semaphore, #tpu.memory_space<semaphore_mem>>
      %dma_start3A_131 = arith.constant 0 : i32
      %dma_start3A_132 = tpu.memref_slice %arg8[%dma_start3A_131] : memref<2000xf32, #tpu.memory_space<vmem>> -> memref<2000xf32, #tpu.memory_space<vmem>>
      %dma_start3A_133 = tpu.memref_slice %arg28[%add3A_90] : memref<100096xf32, #tpu.memory_space<vmem_shared>> -> memref<2000xf32, #tpu.memory_space<vmem_shared>>
      %dma_start3A_134 = arith.constant 0 : i32
      %dma_start3A_135 = tpu.memref_slice %arg8[%dma_start3A_134] : memref<2000xf32, #tpu.memory_space<vmem>> -> memref<2000xf32, #tpu.memory_space<vmem>>
      %dma_start3A_136 = tpu.memref_slice %arg28[%add3A_90] : memref<100096xf32, #tpu.memory_space<vmem_shared>> -> memref<2000xf32, #tpu.memory_space<vmem_shared>>
      tpu.enqueue_dma source(%dma_start3A_136 : memref<2000xf32, #tpu.memory_space<vmem_shared>>) target(%dma_start3A_135 : memref<2000xf32, #tpu.memory_space<vmem>>) target_semaphore(%run_scoped3A : memref<!tpu.dma_semaphore, #tpu.memory_space<semaphore_mem>>)
      %dma_wait3A_137 = arith.constant 0 : i32
      %dma_wait3A_138 = tpu.memref_slice %arg8[%dma_wait3A_137] : memref<2000xf32, #tpu.memory_space<vmem>> -> memref<2000xf32, #tpu.memory_space<vmem>>
      %dma_wait3A_139 = tpu.memref_slice %arg28[%add3A_90] : memref<100096xf32, #tpu.memory_space<vmem_shared>> -> memref<2000xf32, #tpu.memory_space<vmem_shared>>
      %dma_wait3A_140 = arith.constant 0 : i32
      %dma_wait3A_141 = tpu.memref_slice %arg8[%dma_wait3A_140] : memref<2000xf32, #tpu.memory_space<vmem>> -> memref<2000xf32, #tpu.memory_space<vmem>>
      %dma_wait3A_142 = tpu.memref_slice %arg28[%add3A_90] : memref<100096xf32, #tpu.memory_space<vmem_shared>> -> memref<2000xf32, #tpu.memory_space<vmem_shared>>
      tpu.wait_dma2 semaphore(%run_scoped3A : memref<!tpu.dma_semaphore, #tpu.memory_space<semaphore_mem>>) src(%dma_wait3A_142 : memref<2000xf32, #tpu.memory_space<vmem_shared>>) dst(%dma_wait3A_141 : memref<2000xf32, #tpu.memory_space<vmem>>)
      tpu.yield
    }) : () -> ()
    %mul3A_91 = arith.constant 100096 : i32
    %mul3A_92 = arith.muli %arg0, %mul3A_91 : i32
    %mul3A_93 = arith.constant 6256 : i32
    %mul3A_94 = arith.muli %arg1, %mul3A_93 : i32
    %add3A_95 = arith.addi %mul3A_92, %mul3A_94 : i32
    %add3A_96 = arith.constant 0 : i32
    %add3A_97 = arith.addi %add3A_95, %add3A_96 : i32
    "tpu.region"() ({
      %run_scoped3A = tpu.sem_alloc : memref<!tpu.dma_semaphore, #tpu.memory_space<semaphore_mem>>
      %dma_start3A_131 = arith.constant 0 : i32
      %dma_start3A_132 = tpu.memref_slice %arg8[%dma_start3A_131] : memref<2000xf32, #tpu.memory_space<vmem>> -> memref<2000xf32, #tpu.memory_space<vmem>>
      %dma_start3A_133 = tpu.memref_slice %arg6[%add3A_97] : memref<200192xf32, #tpu.memory_space<hbm>> -> memref<2000xf32, #tpu.memory_space<hbm>>
      %dma_start3A_134 = tpu.memref_slice %arg6[%add3A_97] : memref<200192xf32, #tpu.memory_space<hbm>> -> memref<2000xf32, #tpu.memory_space<hbm>>
      %dma_start3A_135 = arith.constant 0 : i32
      %dma_start3A_136 = tpu.memref_slice %arg8[%dma_start3A_135] : memref<2000xf32, #tpu.memory_space<vmem>> -> memref<2000xf32, #tpu.memory_space<vmem>>
      tpu.enqueue_dma source(%dma_start3A_136 : memref<2000xf32, #tpu.memory_space<vmem>>) target(%dma_start3A_134 : memref<2000xf32, #tpu.memory_space<hbm>>) target_semaphore(%run_scoped3A : memref<!tpu.dma_semaphore, #tpu.memory_space<semaphore_mem>>)
      %dma_wait3A_137 = arith.constant 0 : i32
      %dma_wait3A_138 = tpu.memref_slice %arg8[%dma_wait3A_137] : memref<2000xf32, #tpu.memory_space<vmem>> -> memref<2000xf32, #tpu.memory_space<vmem>>
      %dma_wait3A_139 = tpu.memref_slice %arg6[%add3A_97] : memref<200192xf32, #tpu.memory_space<hbm>> -> memref<2000xf32, #tpu.memory_space<hbm>>
      %dma_wait3A_140 = tpu.memref_slice %arg6[%add3A_97] : memref<200192xf32, #tpu.memory_space<hbm>> -> memref<2000xf32, #tpu.memory_space<hbm>>
      %dma_wait3A_141 = arith.constant 0 : i32
      %dma_wait3A_142 = tpu.memref_slice %arg8[%dma_wait3A_141] : memref<2000xf32, #tpu.memory_space<vmem>> -> memref<2000xf32, #tpu.memory_space<vmem>>
      tpu.wait_dma2 semaphore(%run_scoped3A : memref<!tpu.dma_semaphore, #tpu.memory_space<semaphore_mem>>) src(%dma_wait3A_142 : memref<2000xf32, #tpu.memory_space<vmem>>) dst(%dma_wait3A_140 : memref<2000xf32, #tpu.memory_space<hbm>>)
      tpu.yield
    }) : () -> ()
    %mul3A_98 = arith.constant 6256 : i32
    %mul3A_99 = arith.muli %arg1, %mul3A_98 : i32
    %add3A_100 = arith.constant 2000 : i32
    %add3A_101 = arith.addi %mul3A_99, %add3A_100 : i32
    "tpu.region"() ({
      %run_scoped3A = tpu.sem_alloc : memref<!tpu.dma_semaphore, #tpu.memory_space<semaphore_mem>>
      %dma_start3A_131 = arith.constant 0 : i32
      %dma_start3A_132 = tpu.memref_slice %arg8[%dma_start3A_131] : memref<2000xf32, #tpu.memory_space<vmem>> -> memref<2000xf32, #tpu.memory_space<vmem>>
      %dma_start3A_133 = tpu.memref_slice %arg28[%add3A_101] : memref<100096xf32, #tpu.memory_space<vmem_shared>> -> memref<2000xf32, #tpu.memory_space<vmem_shared>>
      %dma_start3A_134 = arith.constant 0 : i32
      %dma_start3A_135 = tpu.memref_slice %arg8[%dma_start3A_134] : memref<2000xf32, #tpu.memory_space<vmem>> -> memref<2000xf32, #tpu.memory_space<vmem>>
      %dma_start3A_136 = tpu.memref_slice %arg28[%add3A_101] : memref<100096xf32, #tpu.memory_space<vmem_shared>> -> memref<2000xf32, #tpu.memory_space<vmem_shared>>
      tpu.enqueue_dma source(%dma_start3A_136 : memref<2000xf32, #tpu.memory_space<vmem_shared>>) target(%dma_start3A_135 : memref<2000xf32, #tpu.memory_space<vmem>>) target_semaphore(%run_scoped3A : memref<!tpu.dma_semaphore, #tpu.memory_space<semaphore_mem>>)
      %dma_wait3A_137 = arith.constant 0 : i32
      %dma_wait3A_138 = tpu.memref_slice %arg8[%dma_wait3A_137] : memref<2000xf32, #tpu.memory_space<vmem>> -> memref<2000xf32, #tpu.memory_space<vmem>>
      %dma_wait3A_139 = tpu.memref_slice %arg28[%add3A_101] : memref<100096xf32, #tpu.memory_space<vmem_shared>> -> memref<2000xf32, #tpu.memory_space<vmem_shared>>
      %dma_wait3A_140 = arith.constant 0 : i32
      %dma_wait3A_141 = tpu.memref_slice %arg8[%dma_wait3A_140] : memref<2000xf32, #tpu.memory_space<vmem>> -> memref<2000xf32, #tpu.memory_space<vmem>>
      %dma_wait3A_142 = tpu.memref_slice %arg28[%add3A_101] : memref<100096xf32, #tpu.memory_space<vmem_shared>> -> memref<2000xf32, #tpu.memory_space<vmem_shared>>
      tpu.wait_dma2 semaphore(%run_scoped3A : memref<!tpu.dma_semaphore, #tpu.memory_space<semaphore_mem>>) src(%dma_wait3A_142 : memref<2000xf32, #tpu.memory_space<vmem_shared>>) dst(%dma_wait3A_141 : memref<2000xf32, #tpu.memory_space<vmem>>)
      tpu.yield
    }) : () -> ()
    %mul3A_102 = arith.constant 100096 : i32
    %mul3A_103 = arith.muli %arg0, %mul3A_102 : i32
    %mul3A_104 = arith.constant 6256 : i32
    %mul3A_105 = arith.muli %arg1, %mul3A_104 : i32
    %add3A_106 = arith.addi %mul3A_103, %mul3A_105 : i32
    %add3A_107 = arith.constant 2000 : i32
    %add3A_108 = arith.addi %add3A_106, %add3A_107 : i32
    "tpu.region"() ({
      %run_scoped3A = tpu.sem_alloc : memref<!tpu.dma_semaphore, #tpu.memory_space<semaphore_mem>>
      %dma_start3A_131 = arith.constant 0 : i32
      %dma_start3A_132 = tpu.memref_slice %arg8[%dma_start3A_131] : memref<2000xf32, #tpu.memory_space<vmem>> -> memref<2000xf32, #tpu.memory_space<vmem>>
      %dma_start3A_133 = tpu.memref_slice %arg6[%add3A_108] : memref<200192xf32, #tpu.memory_space<hbm>> -> memref<2000xf32, #tpu.memory_space<hbm>>
      %dma_start3A_134 = tpu.memref_slice %arg6[%add3A_108] : memref<200192xf32, #tpu.memory_space<hbm>> -> memref<2000xf32, #tpu.memory_space<hbm>>
      %dma_start3A_135 = arith.constant 0 : i32
      %dma_start3A_136 = tpu.memref_slice %arg8[%dma_start3A_135] : memref<2000xf32, #tpu.memory_space<vmem>> -> memref<2000xf32, #tpu.memory_space<vmem>>
      tpu.enqueue_dma source(%dma_start3A_136 : memref<2000xf32, #tpu.memory_space<vmem>>) target(%dma_start3A_134 : memref<2000xf32, #tpu.memory_space<hbm>>) target_semaphore(%run_scoped3A : memref<!tpu.dma_semaphore, #tpu.memory_space<semaphore_mem>>)
      %dma_wait3A_137 = arith.constant 0 : i32
      %dma_wait3A_138 = tpu.memref_slice %arg8[%dma_wait3A_137] : memref<2000xf32, #tpu.memory_space<vmem>> -> memref<2000xf32, #tpu.memory_space<vmem>>
      %dma_wait3A_139 = tpu.memref_slice %arg6[%add3A_108] : memref<200192xf32, #tpu.memory_space<hbm>> -> memref<2000xf32, #tpu.memory_space<hbm>>
      %dma_wait3A_140 = tpu.memref_slice %arg6[%add3A_108] : memref<200192xf32, #tpu.memory_space<hbm>> -> memref<2000xf32, #tpu.memory_space<hbm>>
      %dma_wait3A_141 = arith.constant 0 : i32
      %dma_wait3A_142 = tpu.memref_slice %arg8[%dma_wait3A_141] : memref<2000xf32, #tpu.memory_space<vmem>> -> memref<2000xf32, #tpu.memory_space<vmem>>
      tpu.wait_dma2 semaphore(%run_scoped3A : memref<!tpu.dma_semaphore, #tpu.memory_space<semaphore_mem>>) src(%dma_wait3A_142 : memref<2000xf32, #tpu.memory_space<vmem>>) dst(%dma_wait3A_140 : memref<2000xf32, #tpu.memory_space<hbm>>)
      tpu.yield
    }) : () -> ()
    %mul3A_109 = arith.constant 6256 : i32
    %mul3A_110 = arith.muli %arg1, %mul3A_109 : i32
    %add3A_111 = arith.constant 4000 : i32
    %add3A_112 = arith.addi %mul3A_110, %add3A_111 : i32
    "tpu.region"() ({
      %run_scoped3A = tpu.sem_alloc : memref<!tpu.dma_semaphore, #tpu.memory_space<semaphore_mem>>
      %dma_start3A_131 = arith.constant 0 : i32
      %dma_start3A_132 = tpu.memref_slice %arg8[%dma_start3A_131] : memref<2000xf32, #tpu.memory_space<vmem>> -> memref<2000xf32, #tpu.memory_space<vmem>>
      %dma_start3A_133 = tpu.memref_slice %arg28[%add3A_112] : memref<100096xf32, #tpu.memory_space<vmem_shared>> -> memref<2000xf32, #tpu.memory_space<vmem_shared>>
      %dma_start3A_134 = arith.constant 0 : i32
      %dma_start3A_135 = tpu.memref_slice %arg8[%dma_start3A_134] : memref<2000xf32, #tpu.memory_space<vmem>> -> memref<2000xf32, #tpu.memory_space<vmem>>
      %dma_start3A_136 = tpu.memref_slice %arg28[%add3A_112] : memref<100096xf32, #tpu.memory_space<vmem_shared>> -> memref<2000xf32, #tpu.memory_space<vmem_shared>>
      tpu.enqueue_dma source(%dma_start3A_136 : memref<2000xf32, #tpu.memory_space<vmem_shared>>) target(%dma_start3A_135 : memref<2000xf32, #tpu.memory_space<vmem>>) target_semaphore(%run_scoped3A : memref<!tpu.dma_semaphore, #tpu.memory_space<semaphore_mem>>)
      %dma_wait3A_137 = arith.constant 0 : i32
      %dma_wait3A_138 = tpu.memref_slice %arg8[%dma_wait3A_137] : memref<2000xf32, #tpu.memory_space<vmem>> -> memref<2000xf32, #tpu.memory_space<vmem>>
      %dma_wait3A_139 = tpu.memref_slice %arg28[%add3A_112] : memref<100096xf32, #tpu.memory_space<vmem_shared>> -> memref<2000xf32, #tpu.memory_space<vmem_shared>>
      %dma_wait3A_140 = arith.constant 0 : i32
      %dma_wait3A_141 = tpu.memref_slice %arg8[%dma_wait3A_140] : memref<2000xf32, #tpu.memory_space<vmem>> -> memref<2000xf32, #tpu.memory_space<vmem>>
      %dma_wait3A_142 = tpu.memref_slice %arg28[%add3A_112] : memref<100096xf32, #tpu.memory_space<vmem_shared>> -> memref<2000xf32, #tpu.memory_space<vmem_shared>>
      tpu.wait_dma2 semaphore(%run_scoped3A : memref<!tpu.dma_semaphore, #tpu.memory_space<semaphore_mem>>) src(%dma_wait3A_142 : memref<2000xf32, #tpu.memory_space<vmem_shared>>) dst(%dma_wait3A_141 : memref<2000xf32, #tpu.memory_space<vmem>>)
      tpu.yield
    }) : () -> ()
    %mul3A_113 = arith.constant 100096 : i32
    %mul3A_114 = arith.muli %arg0, %mul3A_113 : i32
    %mul3A_115 = arith.constant 6256 : i32
    %mul3A_116 = arith.muli %arg1, %mul3A_115 : i32
    %add3A_117 = arith.addi %mul3A_114, %mul3A_116 : i32
    %add3A_118 = arith.constant 4000 : i32
    %add3A_119 = arith.addi %add3A_117, %add3A_118 : i32
    "tpu.region"() ({
      %run_scoped3A = tpu.sem_alloc : memref<!tpu.dma_semaphore, #tpu.memory_space<semaphore_mem>>
      %dma_start3A_131 = arith.constant 0 : i32
      %dma_start3A_132 = tpu.memref_slice %arg8[%dma_start3A_131] : memref<2000xf32, #tpu.memory_space<vmem>> -> memref<2000xf32, #tpu.memory_space<vmem>>
      %dma_start3A_133 = tpu.memref_slice %arg6[%add3A_119] : memref<200192xf32, #tpu.memory_space<hbm>> -> memref<2000xf32, #tpu.memory_space<hbm>>
      %dma_start3A_134 = tpu.memref_slice %arg6[%add3A_119] : memref<200192xf32, #tpu.memory_space<hbm>> -> memref<2000xf32, #tpu.memory_space<hbm>>
      %dma_start3A_135 = arith.constant 0 : i32
      %dma_start3A_136 = tpu.memref_slice %arg8[%dma_start3A_135] : memref<2000xf32, #tpu.memory_space<vmem>> -> memref<2000xf32, #tpu.memory_space<vmem>>
      tpu.enqueue_dma source(%dma_start3A_136 : memref<2000xf32, #tpu.memory_space<vmem>>) target(%dma_start3A_134 : memref<2000xf32, #tpu.memory_space<hbm>>) target_semaphore(%run_scoped3A : memref<!tpu.dma_semaphore, #tpu.memory_space<semaphore_mem>>)
      %dma_wait3A_137 = arith.constant 0 : i32
      %dma_wait3A_138 = tpu.memref_slice %arg8[%dma_wait3A_137] : memref<2000xf32, #tpu.memory_space<vmem>> -> memref<2000xf32, #tpu.memory_space<vmem>>
      %dma_wait3A_139 = tpu.memref_slice %arg6[%add3A_119] : memref<200192xf32, #tpu.memory_space<hbm>> -> memref<2000xf32, #tpu.memory_space<hbm>>
      %dma_wait3A_140 = tpu.memref_slice %arg6[%add3A_119] : memref<200192xf32, #tpu.memory_space<hbm>> -> memref<2000xf32, #tpu.memory_space<hbm>>
      %dma_wait3A_141 = arith.constant 0 : i32
      %dma_wait3A_142 = tpu.memref_slice %arg8[%dma_wait3A_141] : memref<2000xf32, #tpu.memory_space<vmem>> -> memref<2000xf32, #tpu.memory_space<vmem>>
      tpu.wait_dma2 semaphore(%run_scoped3A : memref<!tpu.dma_semaphore, #tpu.memory_space<semaphore_mem>>) src(%dma_wait3A_142 : memref<2000xf32, #tpu.memory_space<vmem>>) dst(%dma_wait3A_140 : memref<2000xf32, #tpu.memory_space<hbm>>)
      tpu.yield
    }) : () -> ()
    %mul3A_120 = arith.constant 6256 : i32
    %mul3A_121 = arith.muli %arg1, %mul3A_120 : i32
    %add3A_122 = arith.constant 6000 : i32
    %add3A_123 = arith.addi %mul3A_121, %add3A_122 : i32
    "tpu.region"() ({
      %run_scoped3A = tpu.sem_alloc : memref<!tpu.dma_semaphore, #tpu.memory_space<semaphore_mem>>
      %dma_start3A_131 = arith.constant 0 : i32
      %dma_start3A_132 = tpu.memref_slice %arg8[%dma_start3A_131] : memref<2000xf32, #tpu.memory_space<vmem>> -> memref<256xf32, #tpu.memory_space<vmem>>
      %dma_start3A_133 = tpu.memref_slice %arg28[%add3A_123] : memref<100096xf32, #tpu.memory_space<vmem_shared>> -> memref<256xf32, #tpu.memory_space<vmem_shared>>
      %dma_start3A_134 = arith.constant 0 : i32
      %dma_start3A_135 = tpu.memref_slice %arg8[%dma_start3A_134] : memref<2000xf32, #tpu.memory_space<vmem>> -> memref<256xf32, #tpu.memory_space<vmem>>
      %dma_start3A_136 = tpu.memref_slice %arg28[%add3A_123] : memref<100096xf32, #tpu.memory_space<vmem_shared>> -> memref<256xf32, #tpu.memory_space<vmem_shared>>
      tpu.enqueue_dma source(%dma_start3A_136 : memref<256xf32, #tpu.memory_space<vmem_shared>>) target(%dma_start3A_135 : memref<256xf32, #tpu.memory_space<vmem>>) target_semaphore(%run_scoped3A : memref<!tpu.dma_semaphore, #tpu.memory_space<semaphore_mem>>)
      %dma_wait3A_137 = arith.constant 0 : i32
      %dma_wait3A_138 = tpu.memref_slice %arg8[%dma_wait3A_137] : memref<2000xf32, #tpu.memory_space<vmem>> -> memref<256xf32, #tpu.memory_space<vmem>>
      %dma_wait3A_139 = tpu.memref_slice %arg28[%add3A_123] : memref<100096xf32, #tpu.memory_space<vmem_shared>> -> memref<256xf32, #tpu.memory_space<vmem_shared>>
      %dma_wait3A_140 = arith.constant 0 : i32
      %dma_wait3A_141 = tpu.memref_slice %arg8[%dma_wait3A_140] : memref<2000xf32, #tpu.memory_space<vmem>> -> memref<256xf32, #tpu.memory_space<vmem>>
      %dma_wait3A_142 = tpu.memref_slice %arg28[%add3A_123] : memref<100096xf32, #tpu.memory_space<vmem_shared>> -> memref<256xf32, #tpu.memory_space<vmem_shared>>
      tpu.wait_dma2 semaphore(%run_scoped3A : memref<!tpu.dma_semaphore, #tpu.memory_space<semaphore_mem>>) src(%dma_wait3A_142 : memref<256xf32, #tpu.memory_space<vmem_shared>>) dst(%dma_wait3A_141 : memref<256xf32, #tpu.memory_space<vmem>>)
      tpu.yield
    }) : () -> ()
    %mul3A_124 = arith.constant 100096 : i32
    %mul3A_125 = arith.muli %arg0, %mul3A_124 : i32
    %mul3A_126 = arith.constant 6256 : i32
    %mul3A_127 = arith.muli %arg1, %mul3A_126 : i32
    %add3A_128 = arith.addi %mul3A_125, %mul3A_127 : i32
    %add3A_129 = arith.constant 6000 : i32
    %add3A_130 = arith.addi %add3A_128, %add3A_129 : i32
    "tpu.region"() ({
      %run_scoped3A = tpu.sem_alloc : memref<!tpu.dma_semaphore, #tpu.memory_space<semaphore_mem>>
      %dma_start3A_131 = arith.constant 0 : i32
      %dma_start3A_132 = tpu.memref_slice %arg8[%dma_start3A_131] : memref<2000xf32, #tpu.memory_space<vmem>> -> memref<256xf32, #tpu.memory_space<vmem>>
      %dma_start3A_133 = tpu.memref_slice %arg6[%add3A_130] : memref<200192xf32, #tpu.memory_space<hbm>> -> memref<256xf32, #tpu.memory_space<hbm>>
      %dma_start3A_134 = tpu.memref_slice %arg6[%add3A_130] : memref<200192xf32, #tpu.memory_space<hbm>> -> memref<256xf32, #tpu.memory_space<hbm>>
      %dma_start3A_135 = arith.constant 0 : i32
      %dma_start3A_136 = tpu.memref_slice %arg8[%dma_start3A_135] : memref<2000xf32, #tpu.memory_space<vmem>> -> memref<256xf32, #tpu.memory_space<vmem>>
      tpu.enqueue_dma source(%dma_start3A_136 : memref<256xf32, #tpu.memory_space<vmem>>) target(%dma_start3A_134 : memref<256xf32, #tpu.memory_space<hbm>>) target_semaphore(%run_scoped3A : memref<!tpu.dma_semaphore, #tpu.memory_space<semaphore_mem>>)
      %dma_wait3A_137 = arith.constant 0 : i32
      %dma_wait3A_138 = tpu.memref_slice %arg8[%dma_wait3A_137] : memref<2000xf32, #tpu.memory_space<vmem>> -> memref<256xf32, #tpu.memory_space<vmem>>
      %dma_wait3A_139 = tpu.memref_slice %arg6[%add3A_130] : memref<200192xf32, #tpu.memory_space<hbm>> -> memref<256xf32, #tpu.memory_space<hbm>>
      %dma_wait3A_140 = tpu.memref_slice %arg6[%add3A_130] : memref<200192xf32, #tpu.memory_space<hbm>> -> memref<256xf32, #tpu.memory_space<hbm>>
      %dma_wait3A_141 = arith.constant 0 : i32
      %dma_wait3A_142 = tpu.memref_slice %arg8[%dma_wait3A_141] : memref<2000xf32, #tpu.memory_space<vmem>> -> memref<256xf32, #tpu.memory_space<vmem>>
      tpu.wait_dma2 semaphore(%run_scoped3A : memref<!tpu.dma_semaphore, #tpu.memory_space<semaphore_mem>>) src(%dma_wait3A_142 : memref<256xf32, #tpu.memory_space<vmem>>) dst(%dma_wait3A_140 : memref<256xf32, #tpu.memory_space<hbm>>)
      tpu.yield
    }) : () -> ()
    return
  }
}

module attributes {stable_mosaic.version = 14 : i64} {
  func.func @_geometry_kernel(%arg0: i32, %arg1: memref<128000xf32, #tpu.memory_space<vmem>>, %arg2: memref<128000xf32, #tpu.memory_space<vmem>>) attributes {dimension_semantics = [#tpu.dimension_semantics<arbitrary>], iteration_bounds = array<i64: 50>, scalar_prefetch = 0 : i64, scratch_operands = 0 : i64, tpu.core_type = #tpu.core_type<tc>, window_params = [{transform_indices = @transform_0, window_bounds = array<i64: 128000>}, {transform_indices = @transform_1, window_bounds = array<i64: 128000>}]} {
    %get3A = arith.constant 0 : index
    %get3A_0 = vector.load %arg1[%get3A] : memref<128000xf32, #tpu.memory_space<vmem>>, vector<128000xf32>
    %mul3A = arith.mulf %get3A_0, %get3A_0 : vector<128000xf32>
    %add3A = arith.constant 1.000000e+00 : f32
    %add3A_1 = vector.broadcast %add3A : f32 to vector<128000xf32>
    %add3A_2 = arith.addf %mul3A, %add3A_1 : vector<128000xf32>
    %rsqrt3A = math.rsqrt %mul3A : vector<128000xf32>
    %rsqrt3A_3 = math.rsqrt %add3A_2 : vector<128000xf32>
    %mul3A_4 = arith.constant 2.000000e-01 : f32
    %mul3A_5 = vector.broadcast %mul3A_4 : f32 to vector<128000xf32>
    %mul3A_6 = arith.mulf %get3A_0, %mul3A_5 : vector<128000xf32>
    %mul3A_7 = arith.mulf %mul3A_6, %mul3A_6 : vector<128000xf32>
    %mul3A_8 = arith.mulf %mul3A_7, %mul3A_6 : vector<128000xf32>
    %lt3A = arith.constant 1.000000e+00 : f32
    %lt3A_9 = vector.broadcast %lt3A : f32 to vector<128000xf32>
    %lt3A_10 = arith.cmpf olt, %mul3A_6, %lt3A_9 : vector<128000xf32>
    %mul3A_11 = arith.constant 6.000000e+00 : f32
    %mul3A_12 = vector.broadcast %mul3A_11 : f32 to vector<128000xf32>
    %mul3A_13 = arith.mulf %mul3A_12, %mul3A_6 : vector<128000xf32>
    %sub3A = arith.constant 1.500000e+01 : f32
    %sub3A_14 = vector.broadcast %sub3A : f32 to vector<128000xf32>
    %sub3A_15 = arith.subf %mul3A_13, %sub3A_14 : vector<128000xf32>
    %mul3A_16 = arith.mulf %mul3A_6, %sub3A_15 : vector<128000xf32>
    %add3A_17 = arith.constant 1.000000e+01 : f32
    %add3A_18 = vector.broadcast %add3A_17 : f32 to vector<128000xf32>
    %add3A_19 = arith.addf %add3A_18, %mul3A_16 : vector<128000xf32>
    %mul3A_20 = arith.mulf %mul3A_8, %add3A_19 : vector<128000xf32>
    %sub3A_21 = arith.constant 1.000000e+00 : f32
    %sub3A_22 = vector.broadcast %sub3A_21 : f32 to vector<128000xf32>
    %sub3A_23 = arith.subf %sub3A_22, %mul3A_20 : vector<128000xf32>
    %jit3A = arith.constant 0.000000e+00 : f32
    %broadcast_in_dim3A = vector.broadcast %jit3A : f32 to vector<128000xf32>
    %select_n3A = arith.select %lt3A_10, %sub3A_23, %broadcast_in_dim3A : vector<128000xi1>, vector<128000xf32>
    %mul3A_24 = arith.constant 0.00999999977 : f32
    %mul3A_25 = vector.broadcast %mul3A_24 : f32 to vector<128000xf32>
    %mul3A_26 = arith.mulf %get3A_0, %mul3A_25 : vector<128000xf32>
    %add3A_27 = arith.addf %rsqrt3A, %mul3A_26 : vector<128000xf32>
    %sub3A_28 = arith.constant 2.000000e-01 : f32
    %sub3A_29 = vector.broadcast %sub3A_28 : f32 to vector<128000xf32>
    %sub3A_30 = arith.subf %add3A_27, %sub3A_29 : vector<128000xf32>
    %mul3A_31 = arith.mulf %add3A_2, %rsqrt3A_3 : vector<128000xf32>
    %mul3A_32 = arith.constant 0.00999999977 : f32
    %mul3A_33 = vector.broadcast %mul3A_32 : f32 to vector<128000xf32>
    %mul3A_34 = arith.mulf %mul3A_31, %mul3A_33 : vector<128000xf32>
    %add3A_35 = arith.addf %rsqrt3A_3, %mul3A_34 : vector<128000xf32>
    %sub3A_36 = arith.constant 2.000000e-01 : f32
    %sub3A_37 = vector.broadcast %sub3A_36 : f32 to vector<128000xf32>
    %sub3A_38 = arith.subf %add3A_35, %sub3A_37 : vector<128000xf32>
    %sub3A_39 = arith.subf %sub3A_38, %sub3A_30 : vector<128000xf32>
    %mul3A_40 = arith.mulf %select_n3A, %sub3A_39 : vector<128000xf32>
    %add3A_41 = arith.addf %sub3A_30, %mul3A_40 : vector<128000xf32>
    %mul3A_42 = arith.constant 0.264588594 : f32
    %mul3A_43 = vector.broadcast %mul3A_42 : f32 to vector<128000xf32>
    %mul3A_44 = arith.mulf %mul3A_43, %add3A_41 : vector<128000xf32>
    %le3A = arith.constant 1.000000e+01 : f32
    %le3A_45 = vector.broadcast %le3A : f32 to vector<128000xf32>
    %le3A_46 = arith.cmpf ole, %get3A_0, %le3A_45 : vector<128000xf32>
    %jit3A_47 = arith.constant 0.000000e+00 : f32
    %broadcast_in_dim3A_48 = vector.broadcast %jit3A_47 : f32 to vector<128000xf32>
    %select_n3A_49 = arith.select %le3A_46, %mul3A_44, %broadcast_in_dim3A_48 : vector<128000xi1>, vector<128000xf32>
    %swap3A = arith.constant 0 : index
    %swap3A_50 = vector.load %arg2[%swap3A] : memref<128000xf32, #tpu.memory_space<vmem>>, vector<128000xf32>
    tpu.vector_store %arg2[%swap3A], %select_n3A_49 {strides = array<i32>} : memref<128000xf32, #tpu.memory_space<vmem>>, vector<128000xf32>,
    return
  }
  func.func @transform_0(%arg0: i32) -> i32 {
    %c0_i32 = arith.constant 0 : i32
    return %arg0 : i32
  }
  func.func @transform_1(%arg0: i32) -> i32 {
    %c0_i32 = arith.constant 0 : i32
    return %arg0 : i32
  }
}

module attributes {stable_mosaic.version = 14 : i64} {
  func.func @_scale_sum_kernel(%arg0: memref<2x100096xf32, #tpu.memory_space<vmem>>, %arg1: memref<1x100096xf32, #tpu.memory_space<vmem>>, %arg2: memref<1x100096xf32, #tpu.memory_space<vmem>>) attributes {dimension_semantics = [], scalar_prefetch = 0 : i64, scratch_operands = 0 : i64, tpu.core_type = #tpu.core_type<tc>} {
    %get3A = arith.constant 0 : index
    %get3A_0 = arith.constant 0 : index
    %get3A_1 = vector.load %arg0[%get3A, %get3A_0] : memref<2x100096xf32, #tpu.memory_space<vmem>>, vector<1x100096xf32>
    %get3A_2 = arith.constant 1 : index
    %get3A_3 = arith.constant 0 : index
    %get3A_4 = vector.load %arg0[%get3A_2, %get3A_3] : memref<2x100096xf32, #tpu.memory_space<vmem>>, vector<1x100096xf32>
    %add3A = arith.addf %get3A_1, %get3A_4 : vector<1x100096xf32>
    %get3A_5 = arith.constant 0 : index
    %get3A_6 = arith.constant 0 : index
    %get3A_7 = vector.load %arg1[%get3A_5, %get3A_6] : memref<1x100096xf32, #tpu.memory_space<vmem>>, vector<1x100096xf32>
    %mul3A = arith.mulf %add3A, %get3A_7 : vector<1x100096xf32>
    %swap3A = arith.constant 0 : index
    %swap3A_8 = arith.constant 0 : index
    %swap3A_9 = vector.load %arg2[%swap3A, %swap3A_8] : memref<1x100096xf32, #tpu.memory_space<vmem>>, vector<1x100096xf32>
    tpu.vector_store %arg2[%swap3A, %swap3A_8], %mul3A {strides = array<i32>} : memref<1x100096xf32, #tpu.memory_space<vmem>>, vector<1x100096xf32>,
    return
  }
}

</mosaic_0001>

<sc_bundles>
// kernel: kernel.5.cloned.1.call-start
scs
__scs_entry_jumppad:
0x0: {  	(pc) =	sbr.rel $0x88, $3  }
0x1: {  	(tag) =	ssettag $0x0;
	lr =	simm.s32 $0x1  }
0x2: {  	[smem:$0x3F9D] =	sst lr;
	_ =	strace $0xD0000000  }
0x3: {  	_ = 	snop  }
0x4: {  	_ = 	snop  }
0x5: {  	_ = 	snop  }
0x6: {  	_ = 	snop  }
0x7: {  	_ = 	snop  }
__scs_overlays_trampoline_lowered:
0x8: {  	[smem:$0x3FAC] =	sst s0  }
0x9: {  	[smem:$0x3FAD] =	sst s1  }
0xa: {  	[smem:$0x3FAE] =	sst s2  }
0xb: {  	[smem:$0x3FAF] =	sst s3  }
0xc: {  	[smem:$0x3FB0] =	sst s4  }
0xd: {  	[smem:$0x3FB1] =	sst s5  }
0xe: {  	[smem:$0x3FB2] =	sst s6  }
0xf: {  	[smem:$0x3FB3] =	sst s7  }
0x10: {  	[smem:$0x3FB4] =	sst s8  }
0x11: {  	[smem:$0x3FB5] =	sst s9;
	s0 =	simm.s32 @!p0 $0x0  }
0x12: {  	s1 =	sld [smem:$0x3F9B];
	s0 =	simm.s32 @p0 $0x1  }
0x13: {  	[smem:$0x3FB6] =	sst s0;
	s0 =	simm.s32 @!p1 $0x0  }
0x14: {  	s2 =	sld [smem:$0x3F9A];
	s0 =	simm.s32 @p1 $0x1  }
0x15: {  	[smem:$0x3FB7] =	sst s0;
	s0 =	simm.s32 @!p2 $0x0  }
0x16: {  	s3 =	sld [smem:$0x3FDB];
	s0 =	simm.s32 @p2 $0x1  }
0x17: {  	s4 =	simm.s32 $0x1BF5;
	[smem:$0x3FB9] =	sst s0  }
0x18: {  	s0 =	sld [smem:$0x3F9C];
	_ =	swait.ge [sflag:s4], $0x0  }
0x19: {  	s7 =	sld [smem:$0x3F9D]  }
0x1a: {  	s8 =	sadd.s32 $0xFFFFE003, lr  }
0x1b: {  	s9 =	sadd.s32 $0xFFFFFEF7, lr;
	s5 =	simm.s32 $0xFFFFFFFF;
	p2 =	slt.u32 s8, $0xFFFFF086  }
0x1c: {  	p1 =	slt.u32 s9, $0xF7A;
	s5 =	simm.s32 @!p2 $0x0  }
0x1d: {  	s5 =	simm.s32 @p1 $0x1;
	p0 =	seq.s32 s7, s2  }
0x1e: {  	s7 =	smul.u32 @!p0 $0xF7A, s2;
	p2 =	seq.s32 @!p0 s5, $0x0  }
0x1f: {  	s9 =	smul.u32 $0xF7A, s1;
	s8 =	simm.s32 @!p0 $0x1BF5;
	p2 =	por !p2, p0  }
0x20: {  	[sflag:s8] =	ssyncset.s32 @!p0 $0xFFFFF086;
	s6 =	sadd.s32 @!p0 s3, s7;
	s7 =	simm.s32 @!p0 $0x108  }
0x21: {  	s3 =	sadd.s32 s3, s9;
	s6 =	sadd.s32 @!p0 $0x88, s6;
	s7 =	simm.s32 @p2 $0x1082  }
0x22: {  	[simem:s7], [sflag:s8] =	dma.local @!p0 [hbm:s6], $0xF7A  }
0x23: {  	s9 =	sor.u32 $0xD0000000, s2;
	s6 =	simm.s32 $0x108;
	_ =	swait.ge @!p0 [sflag:s8], $0x0  }
0x24: {  	s3 =	sadd.s32 $0x88, s3;
	s6 =	simm.s32 @!p1 $0x1082;
	[sflag:s4] =	ssyncset.s32 $0xFFFFF086  }
0x25: {  	[simem:s6], [sflag:s4] =	dma.local [hbm:s3], $0xF7A  }
0x26: {  	[smem:$0x3F9D] =	sst s1;
	(tag) =	ssettag s2;
	_ =	strace s9  }
0x27: {  	s1 =	sld [smem:$0x3FAD]  }
0x28: {  	s2 =	sld [smem:$0x3FAE]  }
0x29: {  	s4 =	sld [smem:$0x3FB0]  }
0x2a: {  	p0 =	seq.s32 s5, $0x0;
	s5 =	sld [smem:$0x3FB1]  }
0x2b: {  	s6 =	sld [smem:$0x3FB2]  }
0x2c: {  	s7 =	sld [smem:$0x3FB3]  }
0x2d: {  	s3 =	simm.s32 $0x108;
	s8 =	sld [smem:$0x3FB4]  }
0x2e: {  	s3 =	simm.s32 @!p0 $0x1082;
	s9 =	sld [smem:$0x3FB5]  }
0x2f: {  	lr =	sadd.s32 s0, s3;
	s0 =	sld [smem:$0x3FAC]  }
0x30: {  	s3 =	sld [smem:$0x3FAF]  }
0x31: {  	[smem:$0x3FB8] =	sst s10  }
0x32: {  	s10 =	sld [smem:$0x3FB6];
	_ =	sdelay $0x3  }
0x33: {  	p0 =	seq.s32 s10, $0x1;
	s10 =	sld [smem:$0x3FB8];
	_ =	sdelay $0x3  }
0x34: {  	[smem:$0x3FB8] =	sst s10  }
0x35: {  	s10 =	sld [smem:$0x3FB7];
	_ =	sdelay $0x3  }
0x36: {  	p1 =	seq.s32 s10, $0x1;
	s10 =	sld [smem:$0x3FB8];
	_ =	sdelay $0x3  }
0x37: {  	[smem:$0x3FB8] =	sst s10  }
0x38: {  	s10 =	sld [smem:$0x3FB9]  }
0x39: {  	_ = 	snop;
	(pc) =	sbr.ind lr, $3  }
0x3a: {  	_ = 	snop  }
0x3b: {  	_ = 	snop  }
0x3c: {  	p2 =	seq.s32 s10, $0x1;
	s10 =	sld [smem:$0x3FB8]  }
0x3d: {  	_ =	shalt  }
0x3e: {  	_ =	shalt  }
0x3f: {  	_ =	shalt  }
0x40: {  	_ =	shalt  }
0x41: {  	_ =	shalt  }
0x42: {  	_ =	shalt  }
0x43: {  	_ =	shalt  }
0x44: {  	_ =	shalt  }
0x45: {  	_ =	shalt  }
0x46: {  	_ =	shalt  }
0x47: {  	_ =	shalt  }
0x48: {  	_ =	shalt  }
0x49: {  	_ =	shalt  }
0x4a: {  	_ =	shalt  }
0x4b: {  	_ =	shalt  }
0x4c: {  	_ =	shalt  }
0x4d: {  	_ =	shalt  }
0x4e: {  	_ =	shalt  }
0x4f: {  	_ =	shalt  }
0x50: {  	_ =	shalt  }
0x51: {  	_ =	shalt  }
0x52: {  	_ =	shalt  }
0x53: {  	_ =	shalt  }
0x54: {  	_ =	shalt  }
0x55: {  	_ =	shalt  }
0x56: {  	_ =	shalt  }
0x57: {  	_ =	shalt  }
0x58: {  	_ =	shalt  }
0x59: {  	_ =	shalt  }
0x5a: {  	_ =	shalt  }
0x5b: {  	_ =	shalt  }
0x5c: {  	_ =	shalt  }
0x5d: {  	_ =	shalt  }
0x5e: {  	_ =	shalt  }
0x5f: {  	_ =	shalt  }
0x60: {  	_ =	shalt  }
0x61: {  	_ =	shalt  }
0x62: {  	_ =	shalt  }
0x63: {  	_ =	shalt  }
0x64: {  	_ =	shalt  }
0x65: {  	_ =	shalt  }
0x66: {  	_ =	shalt  }
0x67: {  	_ =	shalt  }
0x68: {  	_ =	shalt  }
0x69: {  	_ =	shalt  }
0x6a: {  	_ =	shalt  }
0x6b: {  	_ =	shalt  }
0x6c: {  	_ =	shalt  }
0x6d: {  	_ =	shalt  }
0x6e: {  	_ =	shalt  }
0x6f: {  	_ =	shalt  }
0x70: {  	_ =	shalt  }
0x71: {  	_ =	shalt  }
0x72: {  	_ =	shalt  }
0x73: {  	_ =	shalt  }
0x74: {  	_ =	shalt  }
0x75: {  	_ =	shalt  }
0x76: {  	_ =	shalt  }
0x77: {  	_ =	shalt  }
0x78: {  	_ =	shalt  }
0x79: {  	_ =	shalt  }
0x7a: {  	_ =	shalt  }
0x7b: {  	_ =	shalt  }
0x7c: {  	_ =	shalt  }
0x7d: {  	_ =	shalt  }
0x7e: {  	_ =	shalt  }
0x7f: {  	_ =	shalt  }
0x80: {  	_ =	shalt  }
0x81: {  	_ =	shalt  }
0x82: {  	_ =	shalt  }
0x83: {  	_ =	shalt  }
0x84: {  	_ =	shalt  }
0x85: {  	_ =	shalt  }
0x86: {  	_ =	shalt  }
0x87: {  	_ =	shalt  }
.Lfunc_end0:
.L_simem_size_0:
called_computation_lowered:
.L_overlay_start_0:
0x88: {  	s2 =	sld [smem:$0x3FD9]  }
0x89: {  	s3 =	sld [smem:$0x3FFE];
	_ =	sdelay $0x1  }
0x8a: {  	s1 =	srdreg.scid  }
0x8b: {  	s0 =	sand.u32 $0x1, s1  }
0x8c: {  	s17 =	sshll.u32 s0, $0xA;
	s2 =	sadd.s32 s3, s2  }
0x8d: {  	s2 =	sadd.s32 s2, s17  }
0x8e: {  	[smem:$0x3FC4] =	sst s2  }
0x8f: {  	_ = 	snop  }
0x90: {  	s2 =	sld [smem:$0x3FC7]  }
0x91: {  	s18 =	sld [smem:$0x3FC6]  }
0x92: {  	s4 =	sld [smem:$0x3FD0];
	(tm) =	ssettm $0x1  }
0x93: {  	s5 =	sld [smem:$0x3FFB];
	_ =	sdelay $0x3  }
0x94: {  	_ =	strace s5  }
0x95: {  	s5 =	sld [smem:$0x3FFC];
	_ =	sdelay $0x3  }
0x96: {  	_ =	strace s5  }
0x97: {  	s5 =	sld [smem:$0x3FFD];
	_ =	sdelay $0x3  }
0x98: {  	_ =	strace s5  }
0x99: {  	_ =	strace $0x8FFFFFFF  }
0x9a: {  	s19 =	sld [smem:$0x3FDB];
	_ =	sdelay $0x1  }
0x9b: {  	s6 =	simm.s32 $_scs_section_size  }
0x9c: {  	s7 =	simm.s32 $_size__tile_overlayer_lowered;
	s8 =	simm.s32 $_tile_overlayer_lowered  }
0x9d: {  	s22 =	simm.s32 $0x1BFF;
	s21 =	sshll.u32 s8, $0x1;
	s5 =	sadd.s32 s6, s19  }
0x9e: {  	s9 =	simm.s32 $0x0;
	s20 =	sshll.u32 s7, $0x1;
	s7 =	sadd.s32 s21, s5  }
0x9f: {  	[timem:s9], [sflag:s22] =	dma.local [hbm:s7], s20  }
0xa0: {  	_ =	swait.ge [sflag:s22], s20  }
0xa1: {  	s6 =	ssub.s32 $0x0, s20;
	[sflag:s22] =	ssyncset.done $0x0  }
0xa2: {  	[sflag:s22] =	ssyncadd.s32 s6;
	_ =	sdelay $0x1  }
0xa3: {  	s23 =	simm.s32 $0x1B8B  }
0xa4: {  	_ =	swait.ge [sflag:s23], $0x1  }
0xa5: {  	[sflag:s23] =	ssyncset.done $0x0  }
0xa6: {  	s25 =	simm.s32 $0x1B8E;
	s24 =	sld [smem:$0x3FFE];
	[sflag:s23] =	ssyncadd.s32 $0xFFFFFFFF  }
0xa7: {  	s26 =	simm.s32 $execute0_lowered;
	[smem:$0x3FD2] =	sst s25  }
0xa8: {  	s7 =	sshll.u32 s26, $0x1;
	_ =	strace $0x80000046;
	[dreg:$0x1] =	wrdreg $0xFFFFFFFF  }
0xa9: {  	s28 =	simm.s32 $_size_execute0_lowered;
	s5 =	sadd.s32 s5, s7;
	[dreg:$0x0] =	wrdreg $0x0  }
0xaa: {  	s7 =	sshll.u32 s28, $0x1;
	[dreg:$0x2] =	wrdreg s5  }
0xab: {  	[dreg:$0x3] =	wrdreg s7  }
0xac: {  	[dreg:$0x4] =	wrdreg $0xC0  }
0xad: {  	_ =	task [dreg:s9], $0x5FFFF  }
0xae: {  	[dreg:$0x1] =	wrdreg $0xFFFFFFFF  }
0xaf: {  	[dreg:$0x0] =	wrdreg $0x60  }
0xb0: {  	[dreg:$0x2] =	wrdreg s24  }
0xb1: {  	[dreg:$0x3] =	wrdreg s4  }
0xb2: {  	[dreg:$0x4] =	wrdreg s2  }
0xb3: {  	[dreg:$0x5] =	wrdreg s18  }
0xb4: {  	[dreg:$0x6] =	wrdreg $0x1E7000  }
0xb5: {  	[dreg:$0x7] =	wrdreg $0x9  }
0xb6: {  	_ =	task.clear_ibuf [dreg:s9], $0x8FFFF;
	_ =	strace $0x90000046  }
0xb7: {  	s29 =	simm.s32 $0x9;
	_ =	strace $0x80000048  }
0xb8: {  	_ =	swait.ge [sflag:s29], $0x1  }
0xb9: {  	[sflag:s29] =	ssyncadd.s32 $0xFFFFFFFF  }
0xba: {  	_ =	strace $0x90000048  }
0xbb: {  	_ =	sfence  }
0xbc: {  	s30 =	sld [smem:$0x0];
	_ =	sdelay $0x2  }
0xbd: {  	s31 =	sshll.u32 s1, $0xD;
	s1 =	sshrl.u32 s1, $0x2  }
0xbe: {  	s3 =	sand.u32 $0x4000, s31;
	s1 =	sadd.s32 s1, s30  }
0xbf: {  	s0 =	sor.u32 s3, s0;
	s1 =	sshll.u32 s1, $0x11  }
0xc0: {  	s0 =	sor.u32 s1, s0  }
0xc1: {  	s0 =	sadd.s32 $0x8F2B, s0  }
0xc2: {  	[sflag:s0] =	ssyncadd.remote.s32 $0x1  }
0xc3: {  	_ =	sfence.sel $0xFFFF  }
0xc4: {  	[dreg:$0x0] =	wrdreg $0xFFFFFFFF;
	(pc) =	sbr.abs _section_cstart, $3  }
0xc5: {  	[dreg:$0x1] =	wrdreg $0xFFFFFFFF  }
0xc6: {  	_ =	task.clear_ibuf [dreg:s9], $0x2FFFF;
	_ =	strace $0x9FFFFFFF  }
0xc7: {  	(tm) =	ssettm $0x7FFFFFFF  }
tec
execute0_lowered:
.L_overlay_start_1:
0x0: {  	(tag) =	ssettag $0x1  }
0x1: {  	s0 =	rddreg [dreg:$0x0]  }
0x2: {  	s2 =	rddreg [dreg:$0x2]  }
0x3: {  	s4 =	rddreg [dreg:$0x3];
	s1 =	srdreg.scid  }
0x4: {  	s9 =	stileid.u32;
	s5 =	rddreg [dreg:$0x4];
	s6 =	simm.s32 $0x0  }
0x5: {  	s28 =	simm.s32 $0x18700;
	s29 =	simm.s32 $0x9;
	s30 =	simm.s32 $0x4  }
0x6: {  	s11 =	simm.s32 $0x1;
	s12 =	simm.s32 $0x7D0;
	s13 =	simm.s32 $0x19700  }
0x7: {  	s1 =	sand.u32 $0x1, s1;
	s3 =	smul.u32 $0x1870, s9;
	[smem:$0x7FF] =	sst s6  }
0x8: {  	s7 =	smul.u32 $0x18700, s1;
	s8 =	sshll.u32 s1, $0x4;
	s1 =	ssub.s32 $0x2, s1  }
0x9: {  	_ =	strace $0x80000047;
	s8 =	sor.u32 s9, s8;
	s15 =	sshrl.u32 s1, $0x1  }
0xa: {  	s10 =	sadd.s32 s3, s5;
	s9 =	simm.s32 $0x6;
	s7 =	sadd.s32 s3, s7  }
0xb: {  	s8 =	smul.u32 $0x30D40, s8;
	s1 =	ssub.s32 s1, s15;
	s15 =	sadd.s32 $0x7D0, s10  }
0xc: {  	s26 =	sadd.s32 $0xFA0, s10;
	s31 =	sadd.s32 $0x1770, s10;
	[dreg:$0x6] =	wrdreg s10  }
0xd: {  	s14 =	sshrl.u32 s7, $0x3;
	s7 =	sadd.s32 $0x400, s0;
	[dreg:$0x14] =	wrdreg s31  }
0xe: {  	s25 =	smax.u32 s1, $0x1;
	s1 =	simm.s32 $0x1AF00;
	[dreg:$0x7] =	wrdreg s15  }
0xf: {  	[dreg:$0x8] =	wrdreg s26;
	s0 =	sadd.s32 s14, s0;
	s16 =	sshrl.u32 s8, $0x3  }
0x10: {  	[dreg:$0x13] =	wrdreg s25;
	s14 =	simm.s32 $0x1B700;
	s17 =	sadd.s32 s7, s16  }
0x11: {  	s25 =	simm.s32 $0x5;
	s18 =	sadd.s32 s2, s16;
	[dreg:$0x9] =	wrdreg s17  }
0x12: {  	s19 =	sadd.s32 s4, s16;
	s3 =	sadd.s32 $0xFA, s16;
	[dreg:$0xa] =	wrdreg s18  }
0x13: {  	s22 =	sadd.s32 $0xC3A00, s0;
	s23 =	sadd.s32 $0xC3AFA, s0;
	[dreg:$0xb] =	wrdreg s19  }
0x14: {  	s24 =	sadd.s32 $0xC3BF4, s0;
	s0 =	sadd.s32 $0xC3CEE, s0;
	[dreg:$0xf] =	wrdreg s22  }
0x15: {  	s16 =	simm.s32 $0x2;
	s20 =	sadd.s32 s7, s3;
	[dreg:$0x10] =	wrdreg s23  }
0x16: {  	s21 =	sadd.s32 s2, s3;
	s3 =	sadd.s32 s4, s3;
	[dreg:$0x11] =	wrdreg s24  }
.Ltmp0:
0x17: {  	s17 =	sadd.s32 $0xFA0, s8;
	[dreg:$0x12] =	wrdreg s0;
	(pc) =	sbr.rel .LBB2_1-.Ltmp0, $4  }
0x18: {  	s18 =	sadd.s32 $0x1770, s8;
	s19 =	sadd.s32 $0x1F40, s8;
	[dreg:$0xc] =	wrdreg s20  }
0x19: {  	s0 =	simm.s32 $0x18F00;
	s22 =	simm.s32 $0x1BF00;
	[dreg:$0xd] =	wrdreg s21  }
0x1a: {  	s23 =	simm.s32 $0x1DF00;
	s24 =	simm.s32 $0x3;
	[dreg:$0xe] =	wrdreg s3  }
0x1b: {  	v0 =	vimm.f32 $0.0e+00;
	s20 =	sadd.s32 $0x2710, s8;
	s21 =	simm.s32 $0x19F00;
	s8 =	simm.s32 $0x0  }
.LBB2_14:
0x1c: {  	s3 =	simm.s32 $0x7  }
0x1d: {  	_ =	swait.ge [sflag:s3], $0x7D0  }
0x1e: {  	[sflag:s3] =	ssyncset.done $0x0  }
0x1f: {  	s15 =	simm.s32 $0x8;
	[sflag:s3] =	ssyncadd.s32 $0xFFFFF830  }
0x20: {  	_ =	swait.ge [sflag:s15], $0x7D0  }
0x21: {  	[sflag:s15] =	ssyncset.done $0x0  }
0x22: {  	[sflag:s15] =	ssyncadd.s32 $0xFFFFF830  }
0x23: {  	[bflag:$0x0] =	sbarrier.arrive $0xFFFF  }
0x24: {  	s10 =	rddreg [dreg:$0x6]  }
0x25: {  	[tilespmem:s28], [sflag:$0x9] =	stream.linear.gather [spmem:s10], $0x7D0, $0x38;
	[tilespmem:$0x1FF70] =	vst v63  }
0x26: {  	_ =	swait.ge [sflag:s29], $0x7D0  }
0x27: {  	[sflag:s29] =	ssyncset.done $0x0  }
0x28: {  	s26 =	rddreg [dreg:$0xf];
	[sflag:s29] =	ssyncadd.s32 $0xFFFFF830  }
0x29: {  	[hbm4b:s26+s6] =	stream.linear.scatter [tilespmem:s28], [sflag:$0x9], $0x7D0, $0x38;
	[tilespmem:$0x1FF70] =	vst v63  }
0x2a: {  	_ =	swait.ge [sflag:s29], $0x7D0  }
0x2b: {  	[sflag:s29] =	ssyncset.done $0x0  }
0x2c: {  	s15 =	rddreg [dreg:$0x7];
	[sflag:s29] =	ssyncadd.s32 $0xFFFFF830  }
0x2d: {  	[tilespmem:s28], [sflag:$0x9] =	stream.linear.gather [spmem:s15], $0x7D0, $0x38;
	[tilespmem:$0x1FF70] =	vst v63  }
0x2e: {  	_ =	swait.ge [sflag:s29], $0x7D0  }
0x2f: {  	[sflag:s29] =	ssyncset.done $0x0  }
0x30: {  	s31 =	rddreg [dreg:$0x10];
	[sflag:s29] =	ssyncadd.s32 $0xFFFFF830  }
0x31: {  	[hbm4b:s31+s6] =	stream.linear.scatter [tilespmem:s28], [sflag:$0x9], $0x7D0, $0x38;
	[tilespmem:$0x1FF70] =	vst v63  }
0x32: {  	_ =	swait.ge [sflag:s29], $0x7D0  }
0x33: {  	[sflag:s29] =	ssyncset.done $0x0  }
0x34: {  	s26 =	rddreg [dreg:$0x8];
	[sflag:s29] =	ssyncadd.s32 $0xFFFFF830  }
0x35: {  	[tilespmem:s28], [sflag:$0x9] =	stream.linear.gather [spmem:s26], $0x7D0, $0x38;
	[tilespmem:$0x1FF70] =	vst v63  }
0x36: {  	_ =	swait.ge [sflag:s29], $0x7D0  }
0x37: {  	[sflag:s29] =	ssyncset.done $0x0  }
0x38: {  	s8 =	rddreg [dreg:$0x11];
	[sflag:s29] =	ssyncadd.s32 $0xFFFFF830  }
0x39: {  	[hbm4b:s8+s6] =	stream.linear.scatter [tilespmem:s28], [sflag:$0x9], $0x7D0, $0x38;
	[tilespmem:$0x1FF70] =	vst v63  }
0x3a: {  	_ =	swait.ge [sflag:s29], $0x7D0  }
0x3b: {  	[sflag:s29] =	ssyncset.done $0x0  }
0x3c: {  	s31 =	rddreg [dreg:$0x14];
	[sflag:s29] =	ssyncadd.s32 $0xFFFFF830  }
0x3d: {  	[tilespmem:s28], [sflag:$0x9] =	stream.linear.gather [spmem:s31], $0x100, $0x38;
	[tilespmem:$0x1FF70] =	vst v63  }
0x3e: {  	_ =	swait.ge [sflag:s29], $0x100  }
0x3f: {  	[sflag:s29] =	ssyncset.done $0x0  }
0x40: {  	s8 =	rddreg [dreg:$0x12];
	[sflag:s29] =	ssyncadd.s32 $0xFFFFFF00  }
0x41: {  	[hbm4b:s8+s6] =	stream.linear.scatter [tilespmem:s28], [sflag:$0x9], $0x100, $0x38;
	[tilespmem:$0x1FF70] =	vst v63  }
0x42: {  	_ =	swait.ge [sflag:s29], $0x100  }
0x43: {  	s8 =	rddreg [dreg:$0x15]  }
0x44: {  	s31 =	rddreg [dreg:$0x13];
	s8 =	sadd.s32 $0x1, s8  }
0x45: {  	p0 =	sne.s32 s8, s31  }
.Ltmp1:
0x46: {  	_ = 	snop;
	(pc) =	sbr.rel @!p0 .LBB2_15-.Ltmp1, $3  }
0x47: {  	_ =	sdelay $0x1  }
0x48: {  	[sflag:s29] =	ssyncset.done $0x0  }
0x49: {  	[sflag:s29] =	ssyncadd.s32 $0xFFFFFF00  }
.LBB2_1:
0x4a: {  	[dreg:$0x15] =	wrdreg s8  }
0x4b: {  	s3 =	rddreg [dreg:$0x1];
	s8 =	simm.s32 $0x18740  }
0x4c: {  	[tilespmem:s6], [sflag:$0x4] =	stream.linear.gather [hbm4b:s3+s6], $0x18700, $0x38;
	[tilespmem:$0x1FF70] =	vst v63  }
0x4d: {  	[tilespmem:s8+$0xFFFFFFC0] =	vst v0  }
0x4e: {  	[tilespmem:s8+$0x30] =	vst v0  }
0x4f: {  	[tilespmem:s8+$0x20] =	vst v0  }
0x50: {  	[tilespmem:s8+$0x10] =	vst v0  }
0x51: {  	[tilespmem:s8+$0x0] =	vst v0  }
0x52: {  	[tilespmem:s8+$0xFFFFFFF0] =	vst v0  }
0x53: {  	s3 =	simm.s32 $0x0;
	[tilespmem:s8+$0xFFFFFFE0] =	vst v0  }
.LBB2_2:
0x54: {  	s3 =	sadd.s32 $0x8, s3;
	[tilespmem:s8+$0xFFFFFFD0] =	vst v0;
	s8 =	sadd.s32 $0x80, s8  }
0x55: {  	[tilespmem:s8+$0xFFFFFFC0] =	vst v0;
	p0 =	slt.u32 s3, $0x70  }
0x56: {  	[tilespmem:s8+$0x30] =	vst v0  }
.Ltmp2:
0x57: {  	[tilespmem:s8+$0x20] =	vst v0;
	(pc) =	sbr.rel @p0 .LBB2_2-.Ltmp2, $4  }
0x58: {  	[tilespmem:s8+$0x10] =	vst v0  }
0x59: {  	[tilespmem:s8+$0x0] =	vst v0  }
0x5a: {  	[tilespmem:s8+$0xFFFFFFF0] =	vst v0  }
0x5b: {  	[tilespmem:s8+$0xFFFFFFE0] =	vst v0  }
0x5c: {  	[tilespmem:s8+$0xFFFFFFD0] =	vst v0  }
0x5d: {  	[tilespmem:$0x18E80] =	vst v0  }
0x5e: {  	[tilespmem:$0x18E90] =	vst v0  }
0x5f: {  	[tilespmem:$0x18EA0] =	vst v0  }
0x60: {  	[tilespmem:$0x18EB0] =	vst v0  }
0x61: {  	[tilespmem:$0x18EC0] =	vst v0  }
0x62: {  	[spmem:s10] =	stream.linear.scatter [tilespmem:s28], [sflag:$0x9], $0x7D0, $0x38;
	[tilespmem:$0x1FF70] =	vst v63  }
0x63: {  	_ =	swait.ge [sflag:s29], $0x7D0  }
0x64: {  	[sflag:s29] =	ssyncset.done $0x0  }
0x65: {  	[sflag:s29] =	ssyncadd.s32 $0xFFFFF830  }
0x66: {  	[spmem:s15] =	stream.linear.scatter [tilespmem:s28], [sflag:$0x9], $0x7D0, $0x38;
	[tilespmem:$0x1FF70] =	vst v63  }
0x67: {  	_ =	swait.ge [sflag:s29], $0x7D0  }
0x68: {  	[sflag:s29] =	ssyncset.done $0x0  }
0x69: {  	[sflag:s29] =	ssyncadd.s32 $0xFFFFF830  }
0x6a: {  	[spmem:s26] =	stream.linear.scatter [tilespmem:s28], [sflag:$0x9], $0x7D0, $0x38;
	[tilespmem:$0x1FF70] =	vst v63  }
0x6b: {  	_ =	swait.ge [sflag:s29], $0x7D0  }
0x6c: {  	[sflag:s29] =	ssyncset.done $0x0  }
0x6d: {  	s3 =	rddreg [dreg:$0x14];
	[sflag:s29] =	ssyncadd.s32 $0xFFFFF830  }
0x6e: {  	[spmem:s3] =	stream.linear.scatter [tilespmem:s28], [sflag:$0x9], $0x100, $0x38;
	[tilespmem:$0x1FF70] =	vst v63  }
0x6f: {  	_ =	swait.ge [sflag:s29], $0x100  }
0x70: {  	[sflag:s29] =	ssyncset.done $0x0  }
0x71: {  	[sflag:s29] =	ssyncadd.s32 $0xFFFFFF00  }
0x72: {  	_ =	swait.ge [sflag:s30], $0x18700  }
0x73: {  	[sflag:s30] =	ssyncset.done $0x0  }
0x74: {  	[sflag:s30] =	ssyncadd.s32 $0xFFFE7900  }
0x75: {  	[bflag:$0x0] =	sbarrier.arrive $0xFFFF  }
0x76: {  	s8 =	simm.s32 $0x0;
	s31 =	rddreg [dreg:$0x9]  }
0x77: {  	[tilespmem:s28], [sflag:$0x1] =	stream.linear.gather [hbm4b:s31+s8], $0x7D0, $0x38;
	[tilespmem:$0x1FF70] =	vst v63  }
0x78: {  	s15 =	simm.s32 $0x1A700;
	s10 =	rddreg [dreg:$0xa]  }
0x79: {  	[tilespmem:s15], [sflag:$0x1] =	stream.linear.gather [hbm4b:s10+s8], $0x7D0, $0x38;
	[tilespmem:$0x1FF70] =	vst v63  }
0x7a: {  	s26 =	rddreg [dreg:$0xb];
	s31 =	simm.s32 $0x1C700  }
0x7b: {  	[tilespmem:s31], [sflag:$0x1] =	stream.linear.gather [hbm4b:s26+s8], $0x7D0, $0x38;
	[tilespmem:$0x1FF70] =	vst v63  }
0x7c: {  	s10 =	rddreg [dreg:$0xc]  }
0x7d: {  	[tilespmem:s0], [sflag:$0x2] =	stream.linear.gather [hbm4b:s10+s8], $0x7D0, $0x38;
	[tilespmem:$0x1FF70] =	vst v63  }
0x7e: {  	s15 =	rddreg [dreg:$0xd]  }
0x7f: {  	[tilespmem:s1], [sflag:$0x2] =	stream.linear.gather [hbm4b:s15+s8], $0x7D0, $0x38;
	[tilespmem:$0x1FF70] =	vst v63  }
0x80: {  	s26 =	rddreg [dreg:$0xe];
	s31 =	simm.s32 $0x1CF00  }
0x81: {  	[tilespmem:s31], [sflag:$0x2] =	stream.linear.gather [hbm4b:s26+s8], $0x7D0, $0x38;
	[tilespmem:$0x1FF70] =	vst v63  }
.LBB2_4:
0x82: {  	_ =	swait.ge [sflag:s11], $0x7D0  }
0x83: {  	[sflag:s11] =	ssyncset.done $0x0  }
0x84: {  	[sflag:s11] =	ssyncadd.s32 $0xFFFFF830  }
0x85: {  	_ =	swait.ge [sflag:s11], $0x7D0  }
0x86: {  	[sflag:s11] =	ssyncset.done $0x0  }
0x87: {  	[sflag:s11] =	ssyncadd.s32 $0xFFFFF830  }
0x88: {  	_ =	swait.ge [sflag:s11], $0x7D0  }
0x89: {  	s26 =	simm.s32 $0xFFFFFFFC;
	[sflag:s11] =	ssyncset.done $0x0  }
0x8a: {  	s10 =	simm.s32 $0x18720;
	s3 =	simm.s32 $0x1C720;
	[sflag:s11] =	ssyncadd.s32 $0xFFFFF830  }
.LBB2_5:
0x8b: {  	v1 =	vld [tilespmem:s3+$0xFFFFFFE0];
	_ =	sdelay $0x6  }
0x8c: {  	v2 =	vld [tilespmem:s10+$0xFFFFFFE0]  }
0x8d: {  	v1 =	vld.idx.msk [tilespmem:v1+s6+$0x0], $0xffff;
	_ =	sdelay $0x4  }
0x8e: {  	v1 =	vmul.f32 v2, v1;
	_ =	sdelay $0x1  }
0x8f: {  	[tilespmem:s10+$0xFFFFFFE0] =	vst v1  }
0x90: {  	v1 =	vld [tilespmem:s3+$0xFFFFFFF0];
	_ =	sdelay $0x6  }
0x91: {  	v2 =	vld [tilespmem:s10+$0xFFFFFFF0]  }
0x92: {  	v1 =	vld.idx.msk [tilespmem:v1+s6+$0x0], $0xffff;
	_ =	sdelay $0x4  }
0x93: {  	v1 =	vmul.f32 v2, v1;
	_ =	sdelay $0x1  }
0x94: {  	[tilespmem:s10+$0xFFFFFFF0] =	vst v1  }
0x95: {  	v1 =	vld [tilespmem:s3+$0x0];
	_ =	sdelay $0x6  }
0x96: {  	v2 =	vld [tilespmem:s10+$0x0]  }
0x97: {  	v1 =	vld.idx.msk [tilespmem:v1+s6+$0x0], $0xffff;
	_ =	sdelay $0x4  }
0x98: {  	v1 =	vmul.f32 v2, v1;
	_ =	sdelay $0x1  }
0x99: {  	[tilespmem:s10+$0x0] =	vst v1  }
0x9a: {  	v1 =	vld [tilespmem:s3+$0x10];
	_ =	sdelay $0x6  }
0x9b: {  	v2 =	vld [tilespmem:s10+$0x10]  }
0x9c: {  	v1 =	vld.idx.msk [tilespmem:v1+s6+$0x0], $0xffff  }
0x9d: {  	s26 =	sadd.s32 $0x4, s26  }
0x9e: {  	p0 =	slt.u32 s26, $0x78  }
.Ltmp3:
0x9f: {  	_ = 	snop;
	(pc) =	sbr.rel @p0 .LBB2_5-.Ltmp3, $3  }
0xa0: {  	_ = 	snop  }
0xa1: {  	v1 =	vmul.f32 v2, v1;
	_ =	sdelay $0x1  }
0xa2: {  	s3 =	sadd.s32 $0x40, s3;
	[tilespmem:s10+$0x10] =	vst v1;
	s10 =	sadd.s32 $0x40, s10  }
0xa3: {  	v1 =	vld [tilespmem:$0x1CEC0];
	_ =	sdelay $0x6  }
0xa4: {  	v2 =	vld [tilespmem:$0x18EC0]  }
0xa5: {  	v1 =	vld.idx.msk [tilespmem:v1+s6+$0x0], $0xffff;
	_ =	sdelay $0x4  }
0xa6: {  	v1 =	vmul.f32 v2, v1;
	_ =	sdelay $0x1  }
0xa7: {  	s3 =	simm.s32 $0x1A700;
	p0 =	seq.s32 s8, $0x0;
	s26 =	smul.u32 $0x1F40, s8;
	[tilespmem:$0x18EC0] =	vst v1  }
0xa8: {  	[spmem:s5] =	stream.indirect.scatter.add.f32 [tilespmem:s28], [sflag:$0x5], $0x1, s3, s12, $0xb8;
	[tilespmem:$0x1FF70] =	vst v63  }
0xa9: {  	s3 =	simm.s32 @!p0 $0x7  }
0xaa: {  	s10 =	sadd.s32 s26, s17;
	_ =	swait.ge @!p0 [sflag:s3], $0x7D0  }
0xab: {  	s10 =	sshrl.u32 s10, $0x3;
	[sflag:s3] =	ssyncset.done @!p0 $0x0  }
0xac: {  	s15 =	sadd.s32 s7, s10;
	[sflag:s3] =	ssyncadd.s32 @!p0 $0xFFFFF830  }
0xad: {  	[tilespmem:s13], [sflag:$0x3] =	stream.linear.gather [hbm4b:s15+s6], $0x7D0, $0x38;
	[tilespmem:$0x1FF70] =	vst v63  }
0xae: {  	s31 =	sadd.s32 s2, s10  }
0xaf: {  	[tilespmem:s14], [sflag:$0x3] =	stream.linear.gather [hbm4b:s31+s6], $0x7D0, $0x38;
	[tilespmem:$0x1FF70] =	vst v63  }
0xb0: {  	s15 =	sadd.s32 s4, s10;
	s31 =	simm.s32 $0x1D700  }
0xb1: {  	[tilespmem:s31], [sflag:$0x3] =	stream.linear.gather [hbm4b:s15+s6], $0x7D0, $0x38;
	[tilespmem:$0x1FF70] =	vst v63  }
0xb2: {  	_ =	swait.ge [sflag:s16], $0x7D0  }
0xb3: {  	[sflag:s16] =	ssyncset.done $0x0  }
0xb4: {  	[sflag:s16] =	ssyncadd.s32 $0xFFFFF830  }
0xb5: {  	_ =	swait.ge [sflag:s16], $0x7D0  }
0xb6: {  	[sflag:s16] =	ssyncset.done $0x0  }
0xb7: {  	[sflag:s16] =	ssyncadd.s32 $0xFFFFF830  }
0xb8: {  	_ =	swait.ge [sflag:s16], $0x7D0  }
0xb9: {  	s3 =	simm.s32 $0x18F20;
	[sflag:s16] =	ssyncset.done $0x0  }
0xba: {  	s10 =	simm.s32 $0xFFFFFFFC;
	s15 =	simm.s32 $0x1CF20;
	[sflag:s16] =	ssyncadd.s32 $0xFFFFF830  }
.LBB2_7:
0xbb: {  	v1 =	vld [tilespmem:s15+$0xFFFFFFE0];
	_ =	sdelay $0x6  }
0xbc: {  	v2 =	vld [tilespmem:s3+$0xFFFFFFE0]  }
0xbd: {  	v1 =	vld.idx.msk [tilespmem:v1+s6+$0x0], $0xffff;
	_ =	sdelay $0x4  }
0xbe: {  	v1 =	vmul.f32 v2, v1;
	_ =	sdelay $0x1  }
0xbf: {  	[tilespmem:s3+$0xFFFFFFE0] =	vst v1  }
0xc0: {  	v1 =	vld [tilespmem:s15+$0xFFFFFFF0];
	_ =	sdelay $0x6  }
0xc1: {  	v2 =	vld [tilespmem:s3+$0xFFFFFFF0]  }
0xc2: {  	v1 =	vld.idx.msk [tilespmem:v1+s6+$0x0], $0xffff;
	_ =	sdelay $0x4  }
0xc3: {  	v1 =	vmul.f32 v2, v1;
	_ =	sdelay $0x1  }
0xc4: {  	[tilespmem:s3+$0xFFFFFFF0] =	vst v1  }
0xc5: {  	v1 =	vld [tilespmem:s15+$0x0];
	_ =	sdelay $0x6  }
0xc6: {  	v2 =	vld [tilespmem:s3+$0x0]  }
0xc7: {  	v1 =	vld.idx.msk [tilespmem:v1+s6+$0x0], $0xffff;
	_ =	sdelay $0x4  }
0xc8: {  	v1 =	vmul.f32 v2, v1;
	_ =	sdelay $0x1  }
0xc9: {  	[tilespmem:s3+$0x0] =	vst v1  }
0xca: {  	v1 =	vld [tilespmem:s15+$0x10];
	_ =	sdelay $0x6  }
0xcb: {  	v2 =	vld [tilespmem:s3+$0x10]  }
0xcc: {  	v1 =	vld.idx.msk [tilespmem:v1+s6+$0x0], $0xffff  }
0xcd: {  	s10 =	sadd.s32 $0x4, s10  }
0xce: {  	p1 =	slt.u32 s10, $0x78  }
.Ltmp4:
0xcf: {  	_ = 	snop;
	(pc) =	sbr.rel @p1 .LBB2_7-.Ltmp4, $3  }
0xd0: {  	_ = 	snop  }
0xd1: {  	v1 =	vmul.f32 v2, v1;
	_ =	sdelay $0x1  }
0xd2: {  	s15 =	sadd.s32 $0x40, s15;
	[tilespmem:s3+$0x10] =	vst v1;
	s3 =	sadd.s32 $0x40, s3  }
0xd3: {  	v1 =	vld [tilespmem:$0x1D6C0];
	_ =	sdelay $0x6  }
0xd4: {  	v2 =	vld [tilespmem:$0x196C0]  }
0xd5: {  	v1 =	vld.idx.msk [tilespmem:v1+s6+$0x0], $0xffff;
	_ =	sdelay $0x4  }
0xd6: {  	v1 =	vmul.f32 v2, v1;
	_ =	sdelay $0x1  }
0xd7: {  	s3 =	simm.s32 @!p0 $0x8;
	[tilespmem:$0x196C0] =	vst v1  }
0xd8: {  	[spmem:s5] =	stream.indirect.scatter.add.f32 [tilespmem:s0], [sflag:$0x6], $0x1, s1, s12, $0xb8;
	[tilespmem:$0x1FF70] =	vst v63  }
0xd9: {  	s10 =	sadd.s32 s26, s18;
	_ =	swait.ge @!p0 [sflag:s3], $0x7D0  }
0xda: {  	s10 =	sshrl.u32 s10, $0x3;
	[sflag:s3] =	ssyncset.done @!p0 $0x0  }
0xdb: {  	s31 =	sadd.s32 s7, s10;
	[sflag:s3] =	ssyncadd.s32 @!p0 $0xFFFFF830  }
0xdc: {  	[tilespmem:s21], [sflag:$0x4] =	stream.linear.gather [hbm4b:s31+s6], $0x7D0, $0x38;
	[tilespmem:$0x1FF70] =	vst v63  }
0xdd: {  	s15 =	sadd.s32 s2, s10  }
0xde: {  	[tilespmem:s22], [sflag:$0x4] =	stream.linear.gather [hbm4b:s15+s6], $0x7D0, $0x38;
	[tilespmem:$0x1FF70] =	vst v63  }
0xdf: {  	s31 =	sadd.s32 s4, s10  }
0xe0: {  	[tilespmem:s23], [sflag:$0x4] =	stream.linear.gather [hbm4b:s31+s6], $0x7D0, $0x38;
	[tilespmem:$0x1FF70] =	vst v63  }
0xe1: {  	_ =	swait.ge [sflag:s24], $0x7D0  }
0xe2: {  	[sflag:s24] =	ssyncset.done $0x0  }
0xe3: {  	[sflag:s24] =	ssyncadd.s32 $0xFFFFF830  }
0xe4: {  	_ =	swait.ge [sflag:s24], $0x7D0  }
0xe5: {  	[sflag:s24] =	ssyncset.done $0x0  }
0xe6: {  	[sflag:s24] =	ssyncadd.s32 $0xFFFFF830  }
0xe7: {  	_ =	swait.ge [sflag:s24], $0x7D0  }
0xe8: {  	s3 =	simm.s32 $0x19720;
	[sflag:s24] =	ssyncset.done $0x0  }
0xe9: {  	s10 =	simm.s32 $0xFFFFFFFC;
	s15 =	simm.s32 $0x1D720;
	[sflag:s24] =	ssyncadd.s32 $0xFFFFF830  }
.LBB2_9:
0xea: {  	v1 =	vld [tilespmem:s15+$0xFFFFFFE0];
	_ =	sdelay $0x6  }
0xeb: {  	v2 =	vld [tilespmem:s3+$0xFFFFFFE0]  }
0xec: {  	v1 =	vld.idx.msk [tilespmem:v1+s6+$0x0], $0xffff;
	_ =	sdelay $0x4  }
0xed: {  	v1 =	vmul.f32 v2, v1;
	_ =	sdelay $0x1  }
0xee: {  	[tilespmem:s3+$0xFFFFFFE0] =	vst v1  }
0xef: {  	v1 =	vld [tilespmem:s15+$0xFFFFFFF0];
	_ =	sdelay $0x6  }
0xf0: {  	v2 =	vld [tilespmem:s3+$0xFFFFFFF0]  }
0xf1: {  	v1 =	vld.idx.msk [tilespmem:v1+s6+$0x0], $0xffff;
	_ =	sdelay $0x4  }
0xf2: {  	v1 =	vmul.f32 v2, v1;
	_ =	sdelay $0x1  }
0xf3: {  	[tilespmem:s3+$0xFFFFFFF0] =	vst v1  }
0xf4: {  	v1 =	vld [tilespmem:s15+$0x0];
	_ =	sdelay $0x6  }
0xf5: {  	v2 =	vld [tilespmem:s3+$0x0]  }
0xf6: {  	v1 =	vld.idx.msk [tilespmem:v1+s6+$0x0], $0xffff;
	_ =	sdelay $0x4  }
0xf7: {  	v1 =	vmul.f32 v2, v1;
	_ =	sdelay $0x1  }
0xf8: {  	[tilespmem:s3+$0x0] =	vst v1  }
0xf9: {  	v1 =	vld [tilespmem:s15+$0x10];
	_ =	sdelay $0x6  }
0xfa: {  	v2 =	vld [tilespmem:s3+$0x10]  }
0xfb: {  	v1 =	vld.idx.msk [tilespmem:v1+s6+$0x0], $0xffff  }
0xfc: {  	s10 =	sadd.s32 $0x4, s10  }
0xfd: {  	p0 =	slt.u32 s10, $0x78  }
.Ltmp5:
0xfe: {  	_ = 	snop;
	(pc) =	sbr.rel @p0 .LBB2_9-.Ltmp5, $3  }
0xff: {  	_ = 	snop  }
0x100: {  	v1 =	vmul.f32 v2, v1;
	_ =	sdelay $0x1  }
0x101: {  	s15 =	sadd.s32 $0x40, s15;
	[tilespmem:s3+$0x10] =	vst v1;
	s3 =	sadd.s32 $0x40, s3  }
0x102: {  	v1 =	vld [tilespmem:$0x1DEC0];
	_ =	sdelay $0x6  }
0x103: {  	v2 =	vld [tilespmem:$0x19EC0]  }
0x104: {  	v1 =	vld.idx.msk [tilespmem:v1+s6+$0x0], $0xffff;
	_ =	sdelay $0x4  }
0x105: {  	v1 =	vmul.f32 v2, v1;
	_ =	sdelay $0x1  }
0x106: {  	p0 =	seq.s32 s8, $0x18;
	[tilespmem:$0x19EC0] =	vst v1  }
0x107: {  	[spmem:s5] =	stream.indirect.scatter.add.f32 [tilespmem:s13], [sflag:$0x7], $0x1, s14, s12, $0xb8;
	[tilespmem:$0x1FF70] =	vst v63  }
0x108: {  	s3 =	sadd.s32 @!p0 s26, s19;
	_ =	swait.ge [sflag:s25], $0x7D0  }
0x109: {  	s15 =	simm.s32 @!p0 $0x0;
	s3 =	sshrl.u32 @!p0 s3, $0x3;
	[sflag:s25] =	ssyncset.done $0x0  }
0x10a: {  	s31 =	simm.s32 @!p0 $0x18700;
	s10 =	sadd.s32 @!p0 s7, s3;
	[sflag:s25] =	ssyncadd.s32 $0xFFFFF830  }
0x10b: {  	[tilespmem:s31], [sflag:$0x1] =	stream.linear.gather @!p0 [hbm4b:s10+s15], $0x7D0, $0x38;
	[tilespmem:$0x1FF70] =	vst v63  }
0x10c: {  	s10 =	sadd.s32 @!p0 s2, s3;
	s31 =	simm.s32 @!p0 $0x1A700  }
0x10d: {  	[tilespmem:s31], [sflag:$0x1] =	stream.linear.gather @!p0 [hbm4b:s10+s15], $0x7D0, $0x38;
	[tilespmem:$0x1FF70] =	vst v63  }
0x10e: {  	s3 =	sadd.s32 @!p0 s4, s3;
	s10 =	simm.s32 @!p0 $0x1C700  }
0x10f: {  	[tilespmem:s10], [sflag:$0x1] =	stream.linear.gather @!p0 [hbm4b:s3+s15], $0x7D0, $0x38;
	[tilespmem:$0x1FF70] =	vst v63  }
0x110: {  	_ =	swait.ge [sflag:s30], $0x7D0  }
0x111: {  	[sflag:s30] =	ssyncset.done $0x0  }
0x112: {  	[sflag:s30] =	ssyncadd.s32 $0xFFFFF830  }
0x113: {  	_ =	swait.ge [sflag:s30], $0x7D0  }
0x114: {  	[sflag:s30] =	ssyncset.done $0x0  }
0x115: {  	[sflag:s30] =	ssyncadd.s32 $0xFFFFF830  }
0x116: {  	_ =	swait.ge [sflag:s30], $0x7D0  }
0x117: {  	s10 =	simm.s32 $0xFFFFFFFC;
	[sflag:s30] =	ssyncset.done $0x0  }
0x118: {  	s3 =	simm.s32 $0x19F20;
	s15 =	simm.s32 $0x1DF20;
	[sflag:s30] =	ssyncadd.s32 $0xFFFFF830  }
.LBB2_11:
0x119: {  	v1 =	vld [tilespmem:s15+$0xFFFFFFE0];
	_ =	sdelay $0x6  }
0x11a: {  	v2 =	vld [tilespmem:s3+$0xFFFFFFE0]  }
0x11b: {  	v1 =	vld.idx.msk [tilespmem:v1+s6+$0x0], $0xffff;
	_ =	sdelay $0x4  }
0x11c: {  	v1 =	vmul.f32 v2, v1;
	_ =	sdelay $0x1  }
0x11d: {  	[tilespmem:s3+$0xFFFFFFE0] =	vst v1  }
0x11e: {  	v1 =	vld [tilespmem:s15+$0xFFFFFFF0];
	_ =	sdelay $0x6  }
0x11f: {  	v2 =	vld [tilespmem:s3+$0xFFFFFFF0]  }
0x120: {  	v1 =	vld.idx.msk [tilespmem:v1+s6+$0x0], $0xffff;
	_ =	sdelay $0x4  }
0x121: {  	v1 =	vmul.f32 v2, v1;
	_ =	sdelay $0x1  }
0x122: {  	[tilespmem:s3+$0xFFFFFFF0] =	vst v1  }
0x123: {  	v1 =	vld [tilespmem:s15+$0x0];
	_ =	sdelay $0x6  }
0x124: {  	v2 =	vld [tilespmem:s3+$0x0]  }
0x125: {  	v1 =	vld.idx.msk [tilespmem:v1+s6+$0x0], $0xffff;
	_ =	sdelay $0x4  }
0x126: {  	v1 =	vmul.f32 v2, v1;
	_ =	sdelay $0x1  }
0x127: {  	[tilespmem:s3+$0x0] =	vst v1  }
0x128: {  	v1 =	vld [tilespmem:s15+$0x10];
	_ =	sdelay $0x6  }
0x129: {  	v2 =	vld [tilespmem:s3+$0x10]  }
0x12a: {  	v1 =	vld.idx.msk [tilespmem:v1+s6+$0x0], $0xffff  }
0x12b: {  	s10 =	sadd.s32 $0x4, s10  }
0x12c: {  	p1 =	slt.u32 s10, $0x78  }
.Ltmp6:
0x12d: {  	_ = 	snop;
	(pc) =	sbr.rel @p1 .LBB2_11-.Ltmp6, $3  }
0x12e: {  	_ = 	snop  }
0x12f: {  	v1 =	vmul.f32 v2, v1;
	_ =	sdelay $0x1  }
0x130: {  	s15 =	sadd.s32 $0x40, s15;
	[tilespmem:s3+$0x10] =	vst v1;
	s3 =	sadd.s32 $0x40, s3  }
0x131: {  	v1 =	vld [tilespmem:$0x1E6C0];
	_ =	sdelay $0x6  }
0x132: {  	v2 =	vld [tilespmem:$0x1A6C0]  }
0x133: {  	v1 =	vld.idx.msk [tilespmem:v1+s6+$0x0], $0xffff;
	_ =	sdelay $0x4  }
0x134: {  	v1 =	vmul.f32 v2, v1;
	_ =	sdelay $0x1  }
.Ltmp7:
0x135: {  	[tilespmem:$0x1A6C0] =	vst v1;
	(pc) =	sbr.rel @p0 .LBB2_14-.Ltmp7, $4  }
0x136: {  	[spmem:s5] =	stream.indirect.scatter.add.f32 [tilespmem:s21], [sflag:$0x8], $0x1, s22, s12, $0xb8;
	[tilespmem:$0x1FF70] =	vst v63  }
0x137: {  	_ =	swait.ge [sflag:s9], $0x7D0  }
0x138: {  	[sflag:s9] =	ssyncset.done $0x0  }
0x139: {  	[sflag:s9] =	ssyncadd.s32 $0xFFFFF830  }
0x13a: {  	s3 =	sadd.s32 s26, s20  }
0x13b: {  	s3 =	sshrl.u32 s3, $0x3  }
0x13c: {  	s10 =	sadd.s32 s7, s3  }
0x13d: {  	[tilespmem:s0], [sflag:$0x2] =	stream.linear.gather [hbm4b:s10+s6], $0x7D0, $0x38;
	[tilespmem:$0x1FF70] =	vst v63  }
.Ltmp8:
0x13e: {  	_ = 	snop;
	(pc) =	sbr.rel .LBB2_4-.Ltmp8, $4  }
0x13f: {  	s26 =	sadd.s32 s2, s3  }
0x140: {  	[tilespmem:s1], [sflag:$0x2] =	stream.linear.gather [hbm4b:s26+s6], $0x7D0, $0x38;
	[tilespmem:$0x1FF70] =	vst v63  }
0x141: {  	s31 =	simm.s32 $0x1CF00;
	s8 =	sadd.s32 $0x1, s8;
	s3 =	sadd.s32 s4, s3  }
0x142: {  	[tilespmem:s31], [sflag:$0x2] =	stream.linear.gather [hbm4b:s3+s6], $0x7D0, $0x38;
	[tilespmem:$0x1FF70] =	vst v63  }
.LBB2_15:
0x143: {  	_ =	sfence.sel $0x180000  }
0x144: {  	[bflag:$0x0] =	sbarrier.arrive $0xFFFF  }
0x145: {  	_ =	strace $0x90000047  }
0x146: {  	s0 =	stileid.u32;
	[bflag:$0x2] =	sbarrier.arrive $0xFFFF  }
0x147: {  	p0 =	sne.s32 s0, $0x0;
	s0 =	rddreg [dreg:$0x5]  }
0x148: {  	s0 =	sadd.s32 @!p0 $0x100000, s0  }
0x149: {  	[sflag:s0] =	ssyncadd.tile.s32 @!p0 $0x1;
	_ =	shalt  }
.Lfunc_end2:
_tile_overlayer_lowered:
.L_overlay_start_2:
0x14a: {  	(tag) =	ssettag $0x2  }
0x14b: {  	s0 =	rddreg [dreg:$0x0];
	s2 =	stileid.u32  }
0x14c: {  	s1 =	rddreg [dreg:$0x1];
	p0 =	sne.s32 s2, $0x0  }
0x14d: {  	s3 =	rddreg [dreg:$0x2];
	[bflag:$0x3] =	sbarrier.arrive $0xFFFF;
	s2 =	simm.s32 @!p0 $0x1C09  }
0x14e: {  	[timem:s3], [sflag:s2] =	dma.local @!p0 [hbm:s0], s1  }
0x14f: {  	s0 =	simm.s32 @!p0 $0x9  }
0x150: {  	_ =	swait.ge @!p0 [sflag:s0], s1  }
0x151: {  	s1 =	ssub.s32 @!p0 $0x0, s1;
	[sflag:s0] =	ssyncset.done @!p0 $0x0  }
0x152: {  	[sflag:s0] =	ssyncadd.s32 @!p0 s1  }
0x153: {  	[bflag:$0x3] =	sbarrier.arrive $0xFFFF  }
0x154: {  	_ =	shalt  }

</sc_bundles>
